<compile_context>
chip_gen: v7x
topology: tpu7x:2x2x1
jax: 0.10.2.dev20260603
libtpu: 0.0.44.dev20260713+nightly
codegen_flags: <defaults>
</compile_context>

<pallas_src>
import functools

import jax
import jax.numpy as jnp
from jax import lax
from jax.experimental import pallas as pl
from jax.experimental.pallas import tpu as pltpu
from jax.experimental.pallas import tpu_sc as plsc


def _sc_gather(w_flat, idx, stride):
    B = idx.shape[0]
    info = plsc.get_sparse_core_info()
    nw = info.num_cores * info.num_subcores
    b_per_w = B // nw
    mesh = plsc.VectorSubcoreMesh(core_axis_name="c", subcore_axis_name="s")

    @functools.partial(
        pl.kernel,
        mesh=mesh,
        out_type=jax.ShapeDtypeStruct((B,), jnp.float32),
        scratch_types=[
            pltpu.VMEM((b_per_w,), jnp.int32),
            pltpu.VMEM((b_per_w,), jnp.int32),
            pltpu.VMEM((b_per_w,), jnp.float32),
            pltpu.SemaphoreType.DMA,
        ],
    )
    def gather_kernel(table_hbm, idx_hbm, out_hbm, idx_v, scaled_v, vals_v, sem):
        wid = lax.axis_index("s") * info.num_cores + lax.axis_index("c")
        base = wid * b_per_w
        pltpu.sync_copy(idx_hbm.at[pl.ds(base, b_per_w)], idx_v)
        for k in range(b_per_w // 16):
            sl = pl.ds(k * 16, 16)
            scaled_v[sl] = idx_v[sl] * stride
        pltpu.async_copy(table_hbm.at[scaled_v], vals_v, sem).wait()
        pltpu.sync_copy(vals_v, out_hbm.at[pl.ds(base, b_per_w)])

    return gather_kernel(w_flat, idx)


def _dense_body(x_ref, y_ref, yfull_ref, out_ref, *, n, d, rows):
    bs = x_ref.shape[0]
    x = x_ref[...]
    y_row = y_ref[0]
    y_sum = jnp.sum(yfull_ref[...])
    t = min(bs, 1024)
    eye = (jax.lax.broadcasted_iota(jnp.int32, (t, t), 0)
           == jax.lax.broadcasted_iota(jnp.int32, (t, t), 1)).astype(jnp.float32)
    cols = [jax.lax.dot_general(eye, y_row[:, k * t:(k + 1) * t],
                                (((1,), (1,)), ((), ())),
                                preferred_element_type=jnp.float32)
            for k in range(bs // t)]
    y = jnp.concatenate(cols, axis=0) if len(cols) > 1 else cols[0]
    s = jnp.sum(x, axis=1, keepdims=True)
    x_avg = s / n
    sx = jnp.sum((x - x_avg) ** 2, axis=1, keepdims=True)
    y_avg = y_sum / n
    sxy = (y - y_avg) * (s - d * x_avg)
    beta = sxy / sx
    pred = beta * s + (y_avg - beta * x_avg)
    out_ref[...] = jnp.broadcast_to(pred, (pred.shape[0], rows))


def _dense(inputs, y, rows, block_samples=4096):
    n, d = inputs.shape
    grid = n // block_samples
    y3 = y.reshape(n // block_samples, 1, block_samples)
    yfull = y.reshape(n // 128, 128)
    return pl.pallas_call(
        functools.partial(_dense_body, n=float(n), d=float(d), rows=rows),
        grid=(grid,),
        in_specs=[
            pl.BlockSpec((block_samples, d), lambda i: (i, 0)),
            pl.BlockSpec((1, 1, block_samples), lambda i: (i, 0, 0)),
            pl.BlockSpec((n // 128, 128), lambda i: (0, 0)),
        ],
        out_specs=pl.BlockSpec((block_samples, rows), lambda i: (i, 0)),
        out_shape=jax.ShapeDtypeStruct((n, rows), jnp.float32),
    )(inputs, y3, yfull)


def kernel(inputs, true_label, weights_matrix, training):
    rows = weights_matrix.shape[0]
    w_flat = jnp.transpose(weights_matrix, (1, 2, 0)).reshape(-1)
    y = _sc_gather(w_flat, true_label, rows)
    return _dense(inputs, y, rows)

# --- scband reference (transcript-rebuilt; emitter-appended) ---
"""Pipeline reference for scband-custom-svractivation-layer-39934605918594 (READ-ONLY COPY).

The authoritative reference and input builder live on the scoring server;
editing this copy changes nothing except your own understanding.
"""

import jax, jax.numpy as jnp
import numpy as np

N_SAMPLES = 16384
D_FEAT = 128
ROWS = 512
VOCAB = 100000


def setup_inputs(seed: int = 0) -> dict:
    key = jax.random.key(seed)
    k1, k2, k3 = jax.random.split(key, 3)
    inputs = jax.random.normal(k1, (N_SAMPLES, D_FEAT), dtype=jnp.float32)
    true_label = jax.random.randint(k2, (N_SAMPLES,), 0, VOCAB, dtype=jnp.int32)
    weights_matrix = jax.random.normal(k3, (ROWS, VOCAB, 1), dtype=jnp.float32) * 0.05
    return {"inputs": inputs, "true_label": true_label, "weights_matrix": weights_matrix, "training": True}


def reference(inputs, true_label, weights_matrix, training=True):
    # reg_labels_train[j, i] = weights_matrix[j, true_label[i], 0]  (large gather)
    rows = weights_matrix.shape[0]
    cols = true_label.shape[0]
    reg_labels_train = jnp.take(weights_matrix[:, :, 0], true_label, axis=1)  # [rows, cols]
    new_y = reg_labels_train[0]  # [cols] == [n_samples]

    n_samples = inputs.shape[0]
    new_n = jnp.asarray(float(n_samples), dtype=jnp.float32)
    # OnlineLinearRegressor.fit with n == 0 (first and only fit in training path)
    new_x_avg = jnp.sum(inputs, axis=1) / new_n            # [n_samples]
    new_y_avg = jnp.broadcast_to(jnp.sum(new_y) / new_n, (n_samples,))  # [n_samples]
    x_star = new_x_avg
    y_star = new_y_avg
    Sx = jnp.sum((inputs - x_star[:, None]) ** 2, axis=1)  # [n_samples]
    Sxy = jnp.sum((inputs - x_star[:, None]) * (new_y[:, None] - y_star[:, None]), axis=1)
    beta = Sxy / Sx
    alpha = new_y_avg - beta * new_x_avg

    # predict(inputs): res[i] = sum_j inputs[i, j] * beta[i]; then + alpha
    pred = beta * jnp.sum(inputs, axis=1) + alpha          # [n_samples]

    # scatter-update every row i of res (shape [rows, cols]) with pred
    res = jnp.zeros((rows, cols), dtype=jnp.float32).at[jnp.arange(rows)].set(pred[None, :])
    return res.T  # [cols, rows]

if __name__ == "__main__":
    import jax
    _d = setup_inputs()
    print(jax.jit(kernel)(*tuple(_d.values())))

</pallas_src>

<mosaic_0001>
#map = affine_map<(d0, d1) -> (0)>
module attributes {stable_mosaic.version = 14 : i64} {
  func.func @gather_kernel(%arg0: i32, %arg1: i32, %arg2: memref<51200000xf32, #tpu.memory_space<hbm>>, %arg3: memref<16384xi32, #tpu.memory_space<hbm>>, %arg4: memref<16384xf32, #tpu.memory_space<hbm>>, %arg5: memref<512xi32, #tpu.memory_space<vmem>>, %arg6: memref<512xi32, #tpu.memory_space<vmem>>, %arg7: memref<512xf32, #tpu.memory_space<vmem>>, %arg8: memref<!tpu.dma_semaphore, #tpu.memory_space<semaphore_mem>>) attributes {dimension_semantics = [#tpu.dimension_semantics<core_parallel>, #tpu.dimension_semantics<subcore_parallel>], iteration_bounds = array<i64: 2, 16>, scalar_prefetch = 0 : i64, scratch_operands = 4 : i64, tpu.core_type = #tpu.core_type<sc_vector_subcore>, window_params = [{transform_indices = #map}, {transform_indices = #map}, {transform_indices = #map}]} {
    %mul3A = arith.constant 2 : i32
    %mul3A_0 = arith.muli %arg1, %mul3A : i32
    %add3A = arith.addi %mul3A_0, %arg0 : i32
    %mul3A_1 = arith.constant 512 : i32
    %mul3A_2 = arith.muli %add3A, %mul3A_1 : i32
    "tpu.region"() ({
      %run_scoped3A = tpu.sem_alloc : memref<!tpu.dma_semaphore, #tpu.memory_space<semaphore_mem>>
      %dma_start3A_323 = tpu.memref_slice %arg3[%mul3A_2] : memref<16384xi32, #tpu.memory_space<hbm>> -> memref<512xi32, #tpu.memory_space<hbm>>
      %dma_start3A_324 = tpu.memref_slice %arg3[%mul3A_2] : memref<16384xi32, #tpu.memory_space<hbm>> -> memref<512xi32, #tpu.memory_space<hbm>>
      tpu.enqueue_dma source(%dma_start3A_324 : memref<512xi32, #tpu.memory_space<hbm>>) target(%arg5 : memref<512xi32, #tpu.memory_space<vmem>>) target_semaphore(%run_scoped3A : memref<!tpu.dma_semaphore, #tpu.memory_space<semaphore_mem>>)
      %dma_wait3A_325 = tpu.memref_slice %arg3[%mul3A_2] : memref<16384xi32, #tpu.memory_space<hbm>> -> memref<512xi32, #tpu.memory_space<hbm>>
      %dma_wait3A_326 = tpu.memref_slice %arg3[%mul3A_2] : memref<16384xi32, #tpu.memory_space<hbm>> -> memref<512xi32, #tpu.memory_space<hbm>>
      tpu.wait_dma2 semaphore(%run_scoped3A : memref<!tpu.dma_semaphore, #tpu.memory_space<semaphore_mem>>) src(%dma_wait3A_326 : memref<512xi32, #tpu.memory_space<hbm>>) dst(%arg5 : memref<512xi32, #tpu.memory_space<vmem>>)
      tpu.yield
    }) : () -> ()
    %get3A = arith.constant 0 : index
    %get3A_3 = tpu.vector_load %arg5[%get3A] {strides = array<i32>} : memref<512xi32, #tpu.memory_space<vmem>>, vector<16xi32>,
    %get3A_4 = vector.shape_cast %get3A_3 : vector<16xi32> to vector<16xi32>
    %mul3A_5 = arith.constant 512 : i32
    %mul3A_6 = vector.broadcast %mul3A_5 : i32 to vector<16xi32>
    %mul3A_7 = arith.muli %get3A_4, %mul3A_6 : vector<16xi32>
    %swap3A = arith.constant 0 : index
    %swap3A_8 = tpu.vector_load %arg6[%swap3A] {strides = array<i32>} : memref<512xi32, #tpu.memory_space<vmem>>, vector<16xi32>,
    %swap3A_9 = vector.shape_cast %swap3A_8 : vector<16xi32> to vector<16xi32>
    %swap3A_10 = vector.shape_cast %mul3A_7 : vector<16xi32> to vector<16xi32>
    tpu.vector_store %arg6[%swap3A], %swap3A_10 {strides = array<i32>} : memref<512xi32, #tpu.memory_space<vmem>>, vector<16xi32>,
    %get3A_11 = arith.constant 16 : index
    %get3A_12 = tpu.vector_load %arg5[%get3A_11] {strides = array<i32>} : memref<512xi32, #tpu.memory_space<vmem>>, vector<16xi32>,
    %get3A_13 = vector.shape_cast %get3A_12 : vector<16xi32> to vector<16xi32>
    %mul3A_14 = arith.constant 512 : i32
    %mul3A_15 = vector.broadcast %mul3A_14 : i32 to vector<16xi32>
    %mul3A_16 = arith.muli %get3A_13, %mul3A_15 : vector<16xi32>
    %swap3A_17 = arith.constant 16 : index
    %swap3A_18 = tpu.vector_load %arg6[%swap3A_17] {strides = array<i32>} : memref<512xi32, #tpu.memory_space<vmem>>, vector<16xi32>,
    %swap3A_19 = vector.shape_cast %swap3A_18 : vector<16xi32> to vector<16xi32>
    %swap3A_20 = vector.shape_cast %mul3A_16 : vector<16xi32> to vector<16xi32>
    tpu.vector_store %arg6[%swap3A_17], %swap3A_20 {strides = array<i32>} : memref<512xi32, #tpu.memory_space<vmem>>, vector<16xi32>,
    %get3A_21 = arith.constant 32 : index
    %get3A_22 = tpu.vector_load %arg5[%get3A_21] {strides = array<i32>} : memref<512xi32, #tpu.memory_space<vmem>>, vector<16xi32>,
    %get3A_23 = vector.shape_cast %get3A_22 : vector<16xi32> to vector<16xi32>
    %mul3A_24 = arith.constant 512 : i32
    %mul3A_25 = vector.broadcast %mul3A_24 : i32 to vector<16xi32>
    %mul3A_26 = arith.muli %get3A_23, %mul3A_25 : vector<16xi32>
    %swap3A_27 = arith.constant 32 : index
    %swap3A_28 = tpu.vector_load %arg6[%swap3A_27] {strides = array<i32>} : memref<512xi32, #tpu.memory_space<vmem>>, vector<16xi32>,
    %swap3A_29 = vector.shape_cast %swap3A_28 : vector<16xi32> to vector<16xi32>
    %swap3A_30 = vector.shape_cast %mul3A_26 : vector<16xi32> to vector<16xi32>
    tpu.vector_store %arg6[%swap3A_27], %swap3A_30 {strides = array<i32>} : memref<512xi32, #tpu.memory_space<vmem>>, vector<16xi32>,
    %get3A_31 = arith.constant 48 : index
    %get3A_32 = tpu.vector_load %arg5[%get3A_31] {strides = array<i32>} : memref<512xi32, #tpu.memory_space<vmem>>, vector<16xi32>,
    %get3A_33 = vector.shape_cast %get3A_32 : vector<16xi32> to vector<16xi32>
    %mul3A_34 = arith.constant 512 : i32
    %mul3A_35 = vector.broadcast %mul3A_34 : i32 to vector<16xi32>
    %mul3A_36 = arith.muli %get3A_33, %mul3A_35 : vector<16xi32>
    %swap3A_37 = arith.constant 48 : index
    %swap3A_38 = tpu.vector_load %arg6[%swap3A_37] {strides = array<i32>} : memref<512xi32, #tpu.memory_space<vmem>>, vector<16xi32>,
    %swap3A_39 = vector.shape_cast %swap3A_38 : vector<16xi32> to vector<16xi32>
    %swap3A_40 = vector.shape_cast %mul3A_36 : vector<16xi32> to vector<16xi32>
    tpu.vector_store %arg6[%swap3A_37], %swap3A_40 {strides = array<i32>} : memref<512xi32, #tpu.memory_space<vmem>>, vector<16xi32>,
    %get3A_41 = arith.constant 64 : index
    %get3A_42 = tpu.vector_load %arg5[%get3A_41] {strides = array<i32>} : memref<512xi32, #tpu.memory_space<vmem>>, vector<16xi32>,
    %get3A_43 = vector.shape_cast %get3A_42 : vector<16xi32> to vector<16xi32>
    %mul3A_44 = arith.constant 512 : i32
    %mul3A_45 = vector.broadcast %mul3A_44 : i32 to vector<16xi32>
    %mul3A_46 = arith.muli %get3A_43, %mul3A_45 : vector<16xi32>
    %swap3A_47 = arith.constant 64 : index
    %swap3A_48 = tpu.vector_load %arg6[%swap3A_47] {strides = array<i32>} : memref<512xi32, #tpu.memory_space<vmem>>, vector<16xi32>,
    %swap3A_49 = vector.shape_cast %swap3A_48 : vector<16xi32> to vector<16xi32>
    %swap3A_50 = vector.shape_cast %mul3A_46 : vector<16xi32> to vector<16xi32>
    tpu.vector_store %arg6[%swap3A_47], %swap3A_50 {strides = array<i32>} : memref<512xi32, #tpu.memory_space<vmem>>, vector<16xi32>,
    %get3A_51 = arith.constant 80 : index
    %get3A_52 = tpu.vector_load %arg5[%get3A_51] {strides = array<i32>} : memref<512xi32, #tpu.memory_space<vmem>>, vector<16xi32>,
    %get3A_53 = vector.shape_cast %get3A_52 : vector<16xi32> to vector<16xi32>
    %mul3A_54 = arith.constant 512 : i32
    %mul3A_55 = vector.broadcast %mul3A_54 : i32 to vector<16xi32>
    %mul3A_56 = arith.muli %get3A_53, %mul3A_55 : vector<16xi32>
    %swap3A_57 = arith.constant 80 : index
    %swap3A_58 = tpu.vector_load %arg6[%swap3A_57] {strides = array<i32>} : memref<512xi32, #tpu.memory_space<vmem>>, vector<16xi32>,
    %swap3A_59 = vector.shape_cast %swap3A_58 : vector<16xi32> to vector<16xi32>
    %swap3A_60 = vector.shape_cast %mul3A_56 : vector<16xi32> to vector<16xi32>
    tpu.vector_store %arg6[%swap3A_57], %swap3A_60 {strides = array<i32>} : memref<512xi32, #tpu.memory_space<vmem>>, vector<16xi32>,
    %get3A_61 = arith.constant 96 : index
    %get3A_62 = tpu.vector_load %arg5[%get3A_61] {strides = array<i32>} : memref<512xi32, #tpu.memory_space<vmem>>, vector<16xi32>,
    %get3A_63 = vector.shape_cast %get3A_62 : vector<16xi32> to vector<16xi32>
    %mul3A_64 = arith.constant 512 : i32
    %mul3A_65 = vector.broadcast %mul3A_64 : i32 to vector<16xi32>
    %mul3A_66 = arith.muli %get3A_63, %mul3A_65 : vector<16xi32>
    %swap3A_67 = arith.constant 96 : index
    %swap3A_68 = tpu.vector_load %arg6[%swap3A_67] {strides = array<i32>} : memref<512xi32, #tpu.memory_space<vmem>>, vector<16xi32>,
    %swap3A_69 = vector.shape_cast %swap3A_68 : vector<16xi32> to vector<16xi32>
    %swap3A_70 = vector.shape_cast %mul3A_66 : vector<16xi32> to vector<16xi32>
    tpu.vector_store %arg6[%swap3A_67], %swap3A_70 {strides = array<i32>} : memref<512xi32, #tpu.memory_space<vmem>>, vector<16xi32>,
    %get3A_71 = arith.constant 112 : index
    %get3A_72 = tpu.vector_load %arg5[%get3A_71] {strides = array<i32>} : memref<512xi32, #tpu.memory_space<vmem>>, vector<16xi32>,
    %get3A_73 = vector.shape_cast %get3A_72 : vector<16xi32> to vector<16xi32>
    %mul3A_74 = arith.constant 512 : i32
    %mul3A_75 = vector.broadcast %mul3A_74 : i32 to vector<16xi32>
    %mul3A_76 = arith.muli %get3A_73, %mul3A_75 : vector<16xi32>
    %swap3A_77 = arith.constant 112 : index
    %swap3A_78 = tpu.vector_load %arg6[%swap3A_77] {strides = array<i32>} : memref<512xi32, #tpu.memory_space<vmem>>, vector<16xi32>,
    %swap3A_79 = vector.shape_cast %swap3A_78 : vector<16xi32> to vector<16xi32>
    %swap3A_80 = vector.shape_cast %mul3A_76 : vector<16xi32> to vector<16xi32>
    tpu.vector_store %arg6[%swap3A_77], %swap3A_80 {strides = array<i32>} : memref<512xi32, #tpu.memory_space<vmem>>, vector<16xi32>,
    %get3A_81 = arith.constant 128 : index
    %get3A_82 = tpu.vector_load %arg5[%get3A_81] {strides = array<i32>} : memref<512xi32, #tpu.memory_space<vmem>>, vector<16xi32>,
    %get3A_83 = vector.shape_cast %get3A_82 : vector<16xi32> to vector<16xi32>
    %mul3A_84 = arith.constant 512 : i32
    %mul3A_85 = vector.broadcast %mul3A_84 : i32 to vector<16xi32>
    %mul3A_86 = arith.muli %get3A_83, %mul3A_85 : vector<16xi32>
    %swap3A_87 = arith.constant 128 : index
    %swap3A_88 = tpu.vector_load %arg6[%swap3A_87] {strides = array<i32>} : memref<512xi32, #tpu.memory_space<vmem>>, vector<16xi32>,
    %swap3A_89 = vector.shape_cast %swap3A_88 : vector<16xi32> to vector<16xi32>
    %swap3A_90 = vector.shape_cast %mul3A_86 : vector<16xi32> to vector<16xi32>
    tpu.vector_store %arg6[%swap3A_87], %swap3A_90 {strides = array<i32>} : memref<512xi32, #tpu.memory_space<vmem>>, vector<16xi32>,
    %get3A_91 = arith.constant 144 : index
    %get3A_92 = tpu.vector_load %arg5[%get3A_91] {strides = array<i32>} : memref<512xi32, #tpu.memory_space<vmem>>, vector<16xi32>,
    %get3A_93 = vector.shape_cast %get3A_92 : vector<16xi32> to vector<16xi32>
    %mul3A_94 = arith.constant 512 : i32
    %mul3A_95 = vector.broadcast %mul3A_94 : i32 to vector<16xi32>
    %mul3A_96 = arith.muli %get3A_93, %mul3A_95 : vector<16xi32>
    %swap3A_97 = arith.constant 144 : index
    %swap3A_98 = tpu.vector_load %arg6[%swap3A_97] {strides = array<i32>} : memref<512xi32, #tpu.memory_space<vmem>>, vector<16xi32>,
    %swap3A_99 = vector.shape_cast %swap3A_98 : vector<16xi32> to vector<16xi32>
    %swap3A_100 = vector.shape_cast %mul3A_96 : vector<16xi32> to vector<16xi32>
    tpu.vector_store %arg6[%swap3A_97], %swap3A_100 {strides = array<i32>} : memref<512xi32, #tpu.memory_space<vmem>>, vector<16xi32>,
    %get3A_101 = arith.constant 160 : index
    %get3A_102 = tpu.vector_load %arg5[%get3A_101] {strides = array<i32>} : memref<512xi32, #tpu.memory_space<vmem>>, vector<16xi32>,
    %get3A_103 = vector.shape_cast %get3A_102 : vector<16xi32> to vector<16xi32>
    %mul3A_104 = arith.constant 512 : i32
    %mul3A_105 = vector.broadcast %mul3A_104 : i32 to vector<16xi32>
    %mul3A_106 = arith.muli %get3A_103, %mul3A_105 : vector<16xi32>
    %swap3A_107 = arith.constant 160 : index
    %swap3A_108 = tpu.vector_load %arg6[%swap3A_107] {strides = array<i32>} : memref<512xi32, #tpu.memory_space<vmem>>, vector<16xi32>,
    %swap3A_109 = vector.shape_cast %swap3A_108 : vector<16xi32> to vector<16xi32>
    %swap3A_110 = vector.shape_cast %mul3A_106 : vector<16xi32> to vector<16xi32>
    tpu.vector_store %arg6[%swap3A_107], %swap3A_110 {strides = array<i32>} : memref<512xi32, #tpu.memory_space<vmem>>, vector<16xi32>,
    %get3A_111 = arith.constant 176 : index
    %get3A_112 = tpu.vector_load %arg5[%get3A_111] {strides = array<i32>} : memref<512xi32, #tpu.memory_space<vmem>>, vector<16xi32>,
    %get3A_113 = vector.shape_cast %get3A_112 : vector<16xi32> to vector<16xi32>
    %mul3A_114 = arith.constant 512 : i32
    %mul3A_115 = vector.broadcast %mul3A_114 : i32 to vector<16xi32>
    %mul3A_116 = arith.muli %get3A_113, %mul3A_115 : vector<16xi32>
    %swap3A_117 = arith.constant 176 : index
    %swap3A_118 = tpu.vector_load %arg6[%swap3A_117] {strides = array<i32>} : memref<512xi32, #tpu.memory_space<vmem>>, vector<16xi32>,
    %swap3A_119 = vector.shape_cast %swap3A_118 : vector<16xi32> to vector<16xi32>
    %swap3A_120 = vector.shape_cast %mul3A_116 : vector<16xi32> to vector<16xi32>
    tpu.vector_store %arg6[%swap3A_117], %swap3A_120 {strides = array<i32>} : memref<512xi32, #tpu.memory_space<vmem>>, vector<16xi32>,
    %get3A_121 = arith.constant 192 : index
    %get3A_122 = tpu.vector_load %arg5[%get3A_121] {strides = array<i32>} : memref<512xi32, #tpu.memory_space<vmem>>, vector<16xi32>,
    %get3A_123 = vector.shape_cast %get3A_122 : vector<16xi32> to vector<16xi32>
    %mul3A_124 = arith.constant 512 : i32
    %mul3A_125 = vector.broadcast %mul3A_124 : i32 to vector<16xi32>
    %mul3A_126 = arith.muli %get3A_123, %mul3A_125 : vector<16xi32>
    %swap3A_127 = arith.constant 192 : index
    %swap3A_128 = tpu.vector_load %arg6[%swap3A_127] {strides = array<i32>} : memref<512xi32, #tpu.memory_space<vmem>>, vector<16xi32>,
    %swap3A_129 = vector.shape_cast %swap3A_128 : vector<16xi32> to vector<16xi32>
    %swap3A_130 = vector.shape_cast %mul3A_126 : vector<16xi32> to vector<16xi32>
    tpu.vector_store %arg6[%swap3A_127], %swap3A_130 {strides = array<i32>} : memref<512xi32, #tpu.memory_space<vmem>>, vector<16xi32>,
    %get3A_131 = arith.constant 208 : index
    %get3A_132 = tpu.vector_load %arg5[%get3A_131] {strides = array<i32>} : memref<512xi32, #tpu.memory_space<vmem>>, vector<16xi32>,
    %get3A_133 = vector.shape_cast %get3A_132 : vector<16xi32> to vector<16xi32>
    %mul3A_134 = arith.constant 512 : i32
    %mul3A_135 = vector.broadcast %mul3A_134 : i32 to vector<16xi32>
    %mul3A_136 = arith.muli %get3A_133, %mul3A_135 : vector<16xi32>
    %swap3A_137 = arith.constant 208 : index
    %swap3A_138 = tpu.vector_load %arg6[%swap3A_137] {strides = array<i32>} : memref<512xi32, #tpu.memory_space<vmem>>, vector<16xi32>,
    %swap3A_139 = vector.shape_cast %swap3A_138 : vector<16xi32> to vector<16xi32>
    %swap3A_140 = vector.shape_cast %mul3A_136 : vector<16xi32> to vector<16xi32>
    tpu.vector_store %arg6[%swap3A_137], %swap3A_140 {strides = array<i32>} : memref<512xi32, #tpu.memory_space<vmem>>, vector<16xi32>,
    %get3A_141 = arith.constant 224 : index
    %get3A_142 = tpu.vector_load %arg5[%get3A_141] {strides = array<i32>} : memref<512xi32, #tpu.memory_space<vmem>>, vector<16xi32>,
    %get3A_143 = vector.shape_cast %get3A_142 : vector<16xi32> to vector<16xi32>
    %mul3A_144 = arith.constant 512 : i32
    %mul3A_145 = vector.broadcast %mul3A_144 : i32 to vector<16xi32>
    %mul3A_146 = arith.muli %get3A_143, %mul3A_145 : vector<16xi32>
    %swap3A_147 = arith.constant 224 : index
    %swap3A_148 = tpu.vector_load %arg6[%swap3A_147] {strides = array<i32>} : memref<512xi32, #tpu.memory_space<vmem>>, vector<16xi32>,
    %swap3A_149 = vector.shape_cast %swap3A_148 : vector<16xi32> to vector<16xi32>
    %swap3A_150 = vector.shape_cast %mul3A_146 : vector<16xi32> to vector<16xi32>
    tpu.vector_store %arg6[%swap3A_147], %swap3A_150 {strides = array<i32>} : memref<512xi32, #tpu.memory_space<vmem>>, vector<16xi32>,
    %get3A_151 = arith.constant 240 : index
    %get3A_152 = tpu.vector_load %arg5[%get3A_151] {strides = array<i32>} : memref<512xi32, #tpu.memory_space<vmem>>, vector<16xi32>,
    %get3A_153 = vector.shape_cast %get3A_152 : vector<16xi32> to vector<16xi32>
    %mul3A_154 = arith.constant 512 : i32
    %mul3A_155 = vector.broadcast %mul3A_154 : i32 to vector<16xi32>
    %mul3A_156 = arith.muli %get3A_153, %mul3A_155 : vector<16xi32>
    %swap3A_157 = arith.constant 240 : index
    %swap3A_158 = tpu.vector_load %arg6[%swap3A_157] {strides = array<i32>} : memref<512xi32, #tpu.memory_space<vmem>>, vector<16xi32>,
    %swap3A_159 = vector.shape_cast %swap3A_158 : vector<16xi32> to vector<16xi32>
    %swap3A_160 = vector.shape_cast %mul3A_156 : vector<16xi32> to vector<16xi32>
    tpu.vector_store %arg6[%swap3A_157], %swap3A_160 {strides = array<i32>} : memref<512xi32, #tpu.memory_space<vmem>>, vector<16xi32>,
    %get3A_161 = arith.constant 256 : index
    %get3A_162 = tpu.vector_load %arg5[%get3A_161] {strides = array<i32>} : memref<512xi32, #tpu.memory_space<vmem>>, vector<16xi32>,
    %get3A_163 = vector.shape_cast %get3A_162 : vector<16xi32> to vector<16xi32>
    %mul3A_164 = arith.constant 512 : i32
    %mul3A_165 = vector.broadcast %mul3A_164 : i32 to vector<16xi32>
    %mul3A_166 = arith.muli %get3A_163, %mul3A_165 : vector<16xi32>
    %swap3A_167 = arith.constant 256 : index
    %swap3A_168 = tpu.vector_load %arg6[%swap3A_167] {strides = array<i32>} : memref<512xi32, #tpu.memory_space<vmem>>, vector<16xi32>,
    %swap3A_169 = vector.shape_cast %swap3A_168 : vector<16xi32> to vector<16xi32>
    %swap3A_170 = vector.shape_cast %mul3A_166 : vector<16xi32> to vector<16xi32>
    tpu.vector_store %arg6[%swap3A_167], %swap3A_170 {strides = array<i32>} : memref<512xi32, #tpu.memory_space<vmem>>, vector<16xi32>,
    %get3A_171 = arith.constant 272 : index
    %get3A_172 = tpu.vector_load %arg5[%get3A_171] {strides = array<i32>} : memref<512xi32, #tpu.memory_space<vmem>>, vector<16xi32>,
    %get3A_173 = vector.shape_cast %get3A_172 : vector<16xi32> to vector<16xi32>
    %mul3A_174 = arith.constant 512 : i32
    %mul3A_175 = vector.broadcast %mul3A_174 : i32 to vector<16xi32>
    %mul3A_176 = arith.muli %get3A_173, %mul3A_175 : vector<16xi32>
    %swap3A_177 = arith.constant 272 : index
    %swap3A_178 = tpu.vector_load %arg6[%swap3A_177] {strides = array<i32>} : memref<512xi32, #tpu.memory_space<vmem>>, vector<16xi32>,
    %swap3A_179 = vector.shape_cast %swap3A_178 : vector<16xi32> to vector<16xi32>
    %swap3A_180 = vector.shape_cast %mul3A_176 : vector<16xi32> to vector<16xi32>
    tpu.vector_store %arg6[%swap3A_177], %swap3A_180 {strides = array<i32>} : memref<512xi32, #tpu.memory_space<vmem>>, vector<16xi32>,
    %get3A_181 = arith.constant 288 : index
    %get3A_182 = tpu.vector_load %arg5[%get3A_181] {strides = array<i32>} : memref<512xi32, #tpu.memory_space<vmem>>, vector<16xi32>,
    %get3A_183 = vector.shape_cast %get3A_182 : vector<16xi32> to vector<16xi32>
    %mul3A_184 = arith.constant 512 : i32
    %mul3A_185 = vector.broadcast %mul3A_184 : i32 to vector<16xi32>
    %mul3A_186 = arith.muli %get3A_183, %mul3A_185 : vector<16xi32>
    %swap3A_187 = arith.constant 288 : index
    %swap3A_188 = tpu.vector_load %arg6[%swap3A_187] {strides = array<i32>} : memref<512xi32, #tpu.memory_space<vmem>>, vector<16xi32>,
    %swap3A_189 = vector.shape_cast %swap3A_188 : vector<16xi32> to vector<16xi32>
    %swap3A_190 = vector.shape_cast %mul3A_186 : vector<16xi32> to vector<16xi32>
    tpu.vector_store %arg6[%swap3A_187], %swap3A_190 {strides = array<i32>} : memref<512xi32, #tpu.memory_space<vmem>>, vector<16xi32>,
    %get3A_191 = arith.constant 304 : index
    %get3A_192 = tpu.vector_load %arg5[%get3A_191] {strides = array<i32>} : memref<512xi32, #tpu.memory_space<vmem>>, vector<16xi32>,
    %get3A_193 = vector.shape_cast %get3A_192 : vector<16xi32> to vector<16xi32>
    %mul3A_194 = arith.constant 512 : i32
    %mul3A_195 = vector.broadcast %mul3A_194 : i32 to vector<16xi32>
    %mul3A_196 = arith.muli %get3A_193, %mul3A_195 : vector<16xi32>
    %swap3A_197 = arith.constant 304 : index
    %swap3A_198 = tpu.vector_load %arg6[%swap3A_197] {strides = array<i32>} : memref<512xi32, #tpu.memory_space<vmem>>, vector<16xi32>,
    %swap3A_199 = vector.shape_cast %swap3A_198 : vector<16xi32> to vector<16xi32>
    %swap3A_200 = vector.shape_cast %mul3A_196 : vector<16xi32> to vector<16xi32>
    tpu.vector_store %arg6[%swap3A_197], %swap3A_200 {strides = array<i32>} : memref<512xi32, #tpu.memory_space<vmem>>, vector<16xi32>,
    %get3A_201 = arith.constant 320 : index
    %get3A_202 = tpu.vector_load %arg5[%get3A_201] {strides = array<i32>} : memref<512xi32, #tpu.memory_space<vmem>>, vector<16xi32>,
    %get3A_203 = vector.shape_cast %get3A_202 : vector<16xi32> to vector<16xi32>
    %mul3A_204 = arith.constant 512 : i32
    %mul3A_205 = vector.broadcast %mul3A_204 : i32 to vector<16xi32>
    %mul3A_206 = arith.muli %get3A_203, %mul3A_205 : vector<16xi32>
    %swap3A_207 = arith.constant 320 : index
    %swap3A_208 = tpu.vector_load %arg6[%swap3A_207] {strides = array<i32>} : memref<512xi32, #tpu.memory_space<vmem>>, vector<16xi32>,
    %swap3A_209 = vector.shape_cast %swap3A_208 : vector<16xi32> to vector<16xi32>
    %swap3A_210 = vector.shape_cast %mul3A_206 : vector<16xi32> to vector<16xi32>
    tpu.vector_store %arg6[%swap3A_207], %swap3A_210 {strides = array<i32>} : memref<512xi32, #tpu.memory_space<vmem>>, vector<16xi32>,
    %get3A_211 = arith.constant 336 : index
    %get3A_212 = tpu.vector_load %arg5[%get3A_211] {strides = array<i32>} : memref<512xi32, #tpu.memory_space<vmem>>, vector<16xi32>,
    %get3A_213 = vector.shape_cast %get3A_212 : vector<16xi32> to vector<16xi32>
    %mul3A_214 = arith.constant 512 : i32
    %mul3A_215 = vector.broadcast %mul3A_214 : i32 to vector<16xi32>
    %mul3A_216 = arith.muli %get3A_213, %mul3A_215 : vector<16xi32>
    %swap3A_217 = arith.constant 336 : index
    %swap3A_218 = tpu.vector_load %arg6[%swap3A_217] {strides = array<i32>} : memref<512xi32, #tpu.memory_space<vmem>>, vector<16xi32>,
    %swap3A_219 = vector.shape_cast %swap3A_218 : vector<16xi32> to vector<16xi32>
    %swap3A_220 = vector.shape_cast %mul3A_216 : vector<16xi32> to vector<16xi32>
    tpu.vector_store %arg6[%swap3A_217], %swap3A_220 {strides = array<i32>} : memref<512xi32, #tpu.memory_space<vmem>>, vector<16xi32>,
    %get3A_221 = arith.constant 352 : index
    %get3A_222 = tpu.vector_load %arg5[%get3A_221] {strides = array<i32>} : memref<512xi32, #tpu.memory_space<vmem>>, vector<16xi32>,
    %get3A_223 = vector.shape_cast %get3A_222 : vector<16xi32> to vector<16xi32>
    %mul3A_224 = arith.constant 512 : i32
    %mul3A_225 = vector.broadcast %mul3A_224 : i32 to vector<16xi32>
    %mul3A_226 = arith.muli %get3A_223, %mul3A_225 : vector<16xi32>
    %swap3A_227 = arith.constant 352 : index
    %swap3A_228 = tpu.vector_load %arg6[%swap3A_227] {strides = array<i32>} : memref<512xi32, #tpu.memory_space<vmem>>, vector<16xi32>,
    %swap3A_229 = vector.shape_cast %swap3A_228 : vector<16xi32> to vector<16xi32>
    %swap3A_230 = vector.shape_cast %mul3A_226 : vector<16xi32> to vector<16xi32>
    tpu.vector_store %arg6[%swap3A_227], %swap3A_230 {strides = array<i32>} : memref<512xi32, #tpu.memory_space<vmem>>, vector<16xi32>,
    %get3A_231 = arith.constant 368 : index
    %get3A_232 = tpu.vector_load %arg5[%get3A_231] {strides = array<i32>} : memref<512xi32, #tpu.memory_space<vmem>>, vector<16xi32>,
    %get3A_233 = vector.shape_cast %get3A_232 : vector<16xi32> to vector<16xi32>
    %mul3A_234 = arith.constant 512 : i32
    %mul3A_235 = vector.broadcast %mul3A_234 : i32 to vector<16xi32>
    %mul3A_236 = arith.muli %get3A_233, %mul3A_235 : vector<16xi32>
    %swap3A_237 = arith.constant 368 : index
    %swap3A_238 = tpu.vector_load %arg6[%swap3A_237] {strides = array<i32>} : memref<512xi32, #tpu.memory_space<vmem>>, vector<16xi32>,
    %swap3A_239 = vector.shape_cast %swap3A_238 : vector<16xi32> to vector<16xi32>
    %swap3A_240 = vector.shape_cast %mul3A_236 : vector<16xi32> to vector<16xi32>
    tpu.vector_store %arg6[%swap3A_237], %swap3A_240 {strides = array<i32>} : memref<512xi32, #tpu.memory_space<vmem>>, vector<16xi32>,
    %get3A_241 = arith.constant 384 : index
    %get3A_242 = tpu.vector_load %arg5[%get3A_241] {strides = array<i32>} : memref<512xi32, #tpu.memory_space<vmem>>, vector<16xi32>,
    %get3A_243 = vector.shape_cast %get3A_242 : vector<16xi32> to vector<16xi32>
    %mul3A_244 = arith.constant 512 : i32
    %mul3A_245 = vector.broadcast %mul3A_244 : i32 to vector<16xi32>
    %mul3A_246 = arith.muli %get3A_243, %mul3A_245 : vector<16xi32>
    %swap3A_247 = arith.constant 384 : index
    %swap3A_248 = tpu.vector_load %arg6[%swap3A_247] {strides = array<i32>} : memref<512xi32, #tpu.memory_space<vmem>>, vector<16xi32>,
    %swap3A_249 = vector.shape_cast %swap3A_248 : vector<16xi32> to vector<16xi32>
    %swap3A_250 = vector.shape_cast %mul3A_246 : vector<16xi32> to vector<16xi32>
    tpu.vector_store %arg6[%swap3A_247], %swap3A_250 {strides = array<i32>} : memref<512xi32, #tpu.memory_space<vmem>>, vector<16xi32>,
    %get3A_251 = arith.constant 400 : index
    %get3A_252 = tpu.vector_load %arg5[%get3A_251] {strides = array<i32>} : memref<512xi32, #tpu.memory_space<vmem>>, vector<16xi32>,
    %get3A_253 = vector.shape_cast %get3A_252 : vector<16xi32> to vector<16xi32>
    %mul3A_254 = arith.constant 512 : i32
    %mul3A_255 = vector.broadcast %mul3A_254 : i32 to vector<16xi32>
    %mul3A_256 = arith.muli %get3A_253, %mul3A_255 : vector<16xi32>
    %swap3A_257 = arith.constant 400 : index
    %swap3A_258 = tpu.vector_load %arg6[%swap3A_257] {strides = array<i32>} : memref<512xi32, #tpu.memory_space<vmem>>, vector<16xi32>,
    %swap3A_259 = vector.shape_cast %swap3A_258 : vector<16xi32> to vector<16xi32>
    %swap3A_260 = vector.shape_cast %mul3A_256 : vector<16xi32> to vector<16xi32>
    tpu.vector_store %arg6[%swap3A_257], %swap3A_260 {strides = array<i32>} : memref<512xi32, #tpu.memory_space<vmem>>, vector<16xi32>,
    %get3A_261 = arith.constant 416 : index
    %get3A_262 = tpu.vector_load %arg5[%get3A_261] {strides = array<i32>} : memref<512xi32, #tpu.memory_space<vmem>>, vector<16xi32>,
    %get3A_263 = vector.shape_cast %get3A_262 : vector<16xi32> to vector<16xi32>
    %mul3A_264 = arith.constant 512 : i32
    %mul3A_265 = vector.broadcast %mul3A_264 : i32 to vector<16xi32>
    %mul3A_266 = arith.muli %get3A_263, %mul3A_265 : vector<16xi32>
    %swap3A_267 = arith.constant 416 : index
    %swap3A_268 = tpu.vector_load %arg6[%swap3A_267] {strides = array<i32>} : memref<512xi32, #tpu.memory_space<vmem>>, vector<16xi32>,
    %swap3A_269 = vector.shape_cast %swap3A_268 : vector<16xi32> to vector<16xi32>
    %swap3A_270 = vector.shape_cast %mul3A_266 : vector<16xi32> to vector<16xi32>
    tpu.vector_store %arg6[%swap3A_267], %swap3A_270 {strides = array<i32>} : memref<512xi32, #tpu.memory_space<vmem>>, vector<16xi32>,
    %get3A_271 = arith.constant 432 : index
    %get3A_272 = tpu.vector_load %arg5[%get3A_271] {strides = array<i32>} : memref<512xi32, #tpu.memory_space<vmem>>, vector<16xi32>,
    %get3A_273 = vector.shape_cast %get3A_272 : vector<16xi32> to vector<16xi32>
    %mul3A_274 = arith.constant 512 : i32
    %mul3A_275 = vector.broadcast %mul3A_274 : i32 to vector<16xi32>
    %mul3A_276 = arith.muli %get3A_273, %mul3A_275 : vector<16xi32>
    %swap3A_277 = arith.constant 432 : index
    %swap3A_278 = tpu.vector_load %arg6[%swap3A_277] {strides = array<i32>} : memref<512xi32, #tpu.memory_space<vmem>>, vector<16xi32>,
    %swap3A_279 = vector.shape_cast %swap3A_278 : vector<16xi32> to vector<16xi32>
    %swap3A_280 = vector.shape_cast %mul3A_276 : vector<16xi32> to vector<16xi32>
    tpu.vector_store %arg6[%swap3A_277], %swap3A_280 {strides = array<i32>} : memref<512xi32, #tpu.memory_space<vmem>>, vector<16xi32>,
    %get3A_281 = arith.constant 448 : index
    %get3A_282 = tpu.vector_load %arg5[%get3A_281] {strides = array<i32>} : memref<512xi32, #tpu.memory_space<vmem>>, vector<16xi32>,
    %get3A_283 = vector.shape_cast %get3A_282 : vector<16xi32> to vector<16xi32>
    %mul3A_284 = arith.constant 512 : i32
    %mul3A_285 = vector.broadcast %mul3A_284 : i32 to vector<16xi32>
    %mul3A_286 = arith.muli %get3A_283, %mul3A_285 : vector<16xi32>
    %swap3A_287 = arith.constant 448 : index
    %swap3A_288 = tpu.vector_load %arg6[%swap3A_287] {strides = array<i32>} : memref<512xi32, #tpu.memory_space<vmem>>, vector<16xi32>,
    %swap3A_289 = vector.shape_cast %swap3A_288 : vector<16xi32> to vector<16xi32>
    %swap3A_290 = vector.shape_cast %mul3A_286 : vector<16xi32> to vector<16xi32>
    tpu.vector_store %arg6[%swap3A_287], %swap3A_290 {strides = array<i32>} : memref<512xi32, #tpu.memory_space<vmem>>, vector<16xi32>,
    %get3A_291 = arith.constant 464 : index
    %get3A_292 = tpu.vector_load %arg5[%get3A_291] {strides = array<i32>} : memref<512xi32, #tpu.memory_space<vmem>>, vector<16xi32>,
    %get3A_293 = vector.shape_cast %get3A_292 : vector<16xi32> to vector<16xi32>
    %mul3A_294 = arith.constant 512 : i32
    %mul3A_295 = vector.broadcast %mul3A_294 : i32 to vector<16xi32>
    %mul3A_296 = arith.muli %get3A_293, %mul3A_295 : vector<16xi32>
    %swap3A_297 = arith.constant 464 : index
    %swap3A_298 = tpu.vector_load %arg6[%swap3A_297] {strides = array<i32>} : memref<512xi32, #tpu.memory_space<vmem>>, vector<16xi32>,
    %swap3A_299 = vector.shape_cast %swap3A_298 : vector<16xi32> to vector<16xi32>
    %swap3A_300 = vector.shape_cast %mul3A_296 : vector<16xi32> to vector<16xi32>
    tpu.vector_store %arg6[%swap3A_297], %swap3A_300 {strides = array<i32>} : memref<512xi32, #tpu.memory_space<vmem>>, vector<16xi32>,
    %get3A_301 = arith.constant 480 : index
    %get3A_302 = tpu.vector_load %arg5[%get3A_301] {strides = array<i32>} : memref<512xi32, #tpu.memory_space<vmem>>, vector<16xi32>,
    %get3A_303 = vector.shape_cast %get3A_302 : vector<16xi32> to vector<16xi32>
    %mul3A_304 = arith.constant 512 : i32
    %mul3A_305 = vector.broadcast %mul3A_304 : i32 to vector<16xi32>
    %mul3A_306 = arith.muli %get3A_303, %mul3A_305 : vector<16xi32>
    %swap3A_307 = arith.constant 480 : index
    %swap3A_308 = tpu.vector_load %arg6[%swap3A_307] {strides = array<i32>} : memref<512xi32, #tpu.memory_space<vmem>>, vector<16xi32>,
    %swap3A_309 = vector.shape_cast %swap3A_308 : vector<16xi32> to vector<16xi32>
    %swap3A_310 = vector.shape_cast %mul3A_306 : vector<16xi32> to vector<16xi32>
    tpu.vector_store %arg6[%swap3A_307], %swap3A_310 {strides = array<i32>} : memref<512xi32, #tpu.memory_space<vmem>>, vector<16xi32>,
    %get3A_311 = arith.constant 496 : index
    %get3A_312 = tpu.vector_load %arg5[%get3A_311] {strides = array<i32>} : memref<512xi32, #tpu.memory_space<vmem>>, vector<16xi32>,
    %get3A_313 = vector.shape_cast %get3A_312 : vector<16xi32> to vector<16xi32>
    %mul3A_314 = arith.constant 512 : i32
    %mul3A_315 = vector.broadcast %mul3A_314 : i32 to vector<16xi32>
    %mul3A_316 = arith.muli %get3A_313, %mul3A_315 : vector<16xi32>
    %swap3A_317 = arith.constant 496 : index
    %swap3A_318 = tpu.vector_load %arg6[%swap3A_317] {strides = array<i32>} : memref<512xi32, #tpu.memory_space<vmem>>, vector<16xi32>,
    %swap3A_319 = vector.shape_cast %swap3A_318 : vector<16xi32> to vector<16xi32>
    %swap3A_320 = vector.shape_cast %mul3A_316 : vector<16xi32> to vector<16xi32>
    tpu.vector_store %arg6[%swap3A_317], %swap3A_320 {strides = array<i32>} : memref<512xi32, #tpu.memory_space<vmem>>, vector<16xi32>,
    %dma_start3A = arith.constant 0 : i32
    %dma_start3A_321 = tpu.memref_slice %arg2[%dma_start3A] : memref<51200000xf32, #tpu.memory_space<hbm>> -> memref<51200000xf32, #tpu.memory_space<hbm>>
    tpu.enqueue_indirect_dma source(%dma_start3A_321 : memref<51200000xf32, #tpu.memory_space<hbm>>) target(%arg7 : memref<512xf32, #tpu.memory_space<vmem>>) offsets(%arg6 : memref<512xi32, #tpu.memory_space<vmem>>) semaphore(%arg8 : memref<!tpu.dma_semaphore, #tpu.memory_space<semaphore_mem>>)
    %dma_wait3A = arith.constant 0 : i32
    %dma_wait3A_322 = tpu.memref_slice %arg2[%dma_wait3A] : memref<51200000xf32, #tpu.memory_space<hbm>> -> memref<51200000xf32, #tpu.memory_space<hbm>>
    tpu.wait_indirect_dma semaphore(%arg8 : memref<!tpu.dma_semaphore, #tpu.memory_space<semaphore_mem>>) src(%dma_wait3A_322 : memref<51200000xf32, #tpu.memory_space<hbm>>) dst(%arg7 : memref<512xf32, #tpu.memory_space<vmem>>)
    "tpu.region"() ({
      %run_scoped3A = tpu.sem_alloc : memref<!tpu.dma_semaphore, #tpu.memory_space<semaphore_mem>>
      %dma_start3A_323 = tpu.memref_slice %arg4[%mul3A_2] : memref<16384xf32, #tpu.memory_space<hbm>> -> memref<512xf32, #tpu.memory_space<hbm>>
      %dma_start3A_324 = tpu.memref_slice %arg4[%mul3A_2] : memref<16384xf32, #tpu.memory_space<hbm>> -> memref<512xf32, #tpu.memory_space<hbm>>
      tpu.enqueue_dma source(%arg7 : memref<512xf32, #tpu.memory_space<vmem>>) target(%dma_start3A_324 : memref<512xf32, #tpu.memory_space<hbm>>) target_semaphore(%run_scoped3A : memref<!tpu.dma_semaphore, #tpu.memory_space<semaphore_mem>>)
      %dma_wait3A_325 = tpu.memref_slice %arg4[%mul3A_2] : memref<16384xf32, #tpu.memory_space<hbm>> -> memref<512xf32, #tpu.memory_space<hbm>>
      %dma_wait3A_326 = tpu.memref_slice %arg4[%mul3A_2] : memref<16384xf32, #tpu.memory_space<hbm>> -> memref<512xf32, #tpu.memory_space<hbm>>
      tpu.wait_dma2 semaphore(%run_scoped3A : memref<!tpu.dma_semaphore, #tpu.memory_space<semaphore_mem>>) src(%arg7 : memref<512xf32, #tpu.memory_space<vmem>>) dst(%dma_wait3A_326 : memref<512xf32, #tpu.memory_space<hbm>>)
      tpu.yield
    }) : () -> ()
    return
  }
}

module attributes {stable_mosaic.version = 14 : i64} {
  func.func @_dense_body(%arg0: i32, %arg1: memref<4096x128xf32, #tpu.memory_space<vmem>>, %arg2: memref<1x1x4096xf32, #tpu.memory_space<vmem>>, %arg3: memref<128x128xf32, #tpu.memory_space<vmem>>, %arg4: memref<4096x512xf32, #tpu.memory_space<vmem>>) attributes {dimension_semantics = [#tpu.dimension_semantics<arbitrary>], iteration_bounds = array<i64: 4>, scalar_prefetch = 0 : i64, scratch_operands = 0 : i64, tpu.core_type = #tpu.core_type<tc>, window_params = [{transform_indices = @transform_0, window_bounds = array<i64: 4096, 128>}, {transform_indices = @transform_1, window_bounds = array<i64: 1, 1, 4096>}, {pipeline_mode = #tpu.pipeline_mode<synchronous>, transform_indices = @transform_2, window_bounds = array<i64: 128, 128>}, {transform_indices = @transform_3, window_bounds = array<i64: 4096, 512>}]} {
    %get3A = arith.constant 0 : index
    %get3A_0 = arith.constant 0 : index
    %get3A_1 = vector.load %arg1[%get3A, %get3A_0] : memref<4096x128xf32, #tpu.memory_space<vmem>>, vector<4096x128xf32>
    %get3A_2 = arith.constant 0 : index
    %get3A_3 = arith.constant 0 : index
    %get3A_4 = arith.constant 0 : index
    %get3A_5 = vector.load %arg2[%get3A_2, %get3A_3, %get3A_4] : memref<1x1x4096xf32, #tpu.memory_space<vmem>>, vector<1x1x4096xf32>
    %get3A_6 = vector.shape_cast %get3A_5 : vector<1x1x4096xf32> to vector<1x4096xf32>
    %get3A_7 = arith.constant 0 : index
    %get3A_8 = arith.constant 0 : index
    %get3A_9 = vector.load %arg3[%get3A_7, %get3A_8] : memref<128x128xf32, #tpu.memory_space<vmem>>, vector<128x128xf32>
    %reduce_sum3A = vector.shape_cast %get3A_9 : vector<128x128xf32> to vector<1x128x128xf32>
    %reduce_sum3A_10 = arith.constant dense<0.000000e+00> : vector<1xf32>
    %reduce_sum3A_11 = vector.multi_reduction <add>, %reduce_sum3A, %reduce_sum3A_10 [1, 2] : vector<1x128x128xf32> to vector<1xf32>
    %reduce_sum3A_12 = vector.shape_cast %reduce_sum3A_11 : vector<1xf32> to vector<1x1x1xf32>
    %reduce_sum3A_13 = vector.extract %reduce_sum3A_12[0, 0, 0] : f32 from vector<1x1x1xf32>
    %iota3A = tpu.iota {dimensions = array<i32: 0>} : vector<1024x1024xi32>
    %iota3A_14 = tpu.iota {dimensions = array<i32: 1>} : vector<1024x1024xi32>
    %eq3A = arith.cmpi eq, %iota3A, %iota3A_14 : vector<1024x1024xi32>
    %convert_element_type3A = arith.extui %eq3A : vector<1024x1024xi1> to vector<1024x1024xi32>
    %convert_element_type3A_15 = arith.sitofp %convert_element_type3A : vector<1024x1024xi32> to vector<1024x1024xf32>
    %slice3A = vector.extract_strided_slice %get3A_6 {offsets = [0, 0], sizes = [1, 1024], strides = [1, 1]} : vector<1x4096xf32> to vector<1x1024xf32>
    %dot_general3A = arith.constant dense<0.000000e+00> : vector<1024x1xf32>
    %dot_general3A_16 = tpu.matmul %convert_element_type3A_15, %slice3A, %dot_general3A {dimension_numbers = #tpu.dot_dimension_numbers<[1], [1], [0], [0], [0, 0, 1, 0], [], []>, transpose_lhs_hint = false} : vector<1024x1024xf32>, vector<1x1024xf32>, vector<1024x1xf32> -> vector<1024x1xf32>
    %slice3A_17 = vector.extract_strided_slice %get3A_6 {offsets = [0, 1024], sizes = [1, 1024], strides = [1, 1]} : vector<1x4096xf32> to vector<1x1024xf32>
    %dot_general3A_18 = arith.constant dense<0.000000e+00> : vector<1024x1xf32>
    %dot_general3A_19 = tpu.matmul %convert_element_type3A_15, %slice3A_17, %dot_general3A_18 {dimension_numbers = #tpu.dot_dimension_numbers<[1], [1], [0], [0], [0, 0, 1, 0], [], []>, transpose_lhs_hint = false} : vector<1024x1024xf32>, vector<1x1024xf32>, vector<1024x1xf32> -> vector<1024x1xf32>
    %slice3A_20 = vector.extract_strided_slice %get3A_6 {offsets = [0, 2048], sizes = [1, 1024], strides = [1, 1]} : vector<1x4096xf32> to vector<1x1024xf32>
    %dot_general3A_21 = arith.constant dense<0.000000e+00> : vector<1024x1xf32>
    %dot_general3A_22 = tpu.matmul %convert_element_type3A_15, %slice3A_20, %dot_general3A_21 {dimension_numbers = #tpu.dot_dimension_numbers<[1], [1], [0], [0], [0, 0, 1, 0], [], []>, transpose_lhs_hint = false} : vector<1024x1024xf32>, vector<1x1024xf32>, vector<1024x1xf32> -> vector<1024x1xf32>
    %slice3A_23 = vector.extract_strided_slice %get3A_6 {offsets = [0, 3072], sizes = [1, 1024], strides = [1, 1]} : vector<1x4096xf32> to vector<1x1024xf32>
    %dot_general3A_24 = arith.constant dense<0.000000e+00> : vector<1024x1xf32>
    %dot_general3A_25 = tpu.matmul %convert_element_type3A_15, %slice3A_23, %dot_general3A_24 {dimension_numbers = #tpu.dot_dimension_numbers<[1], [1], [0], [0], [0, 0, 1, 0], [], []>, transpose_lhs_hint = false} : vector<1024x1024xf32>, vector<1x1024xf32>, vector<1024x1xf32> -> vector<1024x1xf32>
    %concatenate3A = tpu.concatenate %dot_general3A_16, %dot_general3A_19, %dot_general3A_22, %dot_general3A_25 in 0 : vector<1024x1xf32>, vector<1024x1xf32>, vector<1024x1xf32>, vector<1024x1xf32> -> vector<4096x1xf32>
    %reduce_sum3A_26 = arith.constant dense<0.000000e+00> : vector<4096xf32>
    %reduce_sum3A_27 = vector.multi_reduction <add>, %get3A_1, %reduce_sum3A_26 [1] : vector<4096x128xf32> to vector<4096xf32>
    %broadcast_in_dim3A = vector.shape_cast %reduce_sum3A_27 : vector<4096xf32> to vector<4096x1xf32>
    %div3A = arith.constant 1.638400e+04 : f32
    %div3A_28 = vector.broadcast %div3A : f32 to vector<4096x1xf32>
    %div3A_29 = arith.divf %broadcast_in_dim3A, %div3A_28 : vector<4096x1xf32>
    %sub3A = vector.broadcast %div3A_29 : vector<4096x1xf32> to vector<4096x128xf32>
    %sub3A_30 = arith.subf %get3A_1, %sub3A : vector<4096x128xf32>
    %integer_pow3A = arith.mulf %sub3A_30, %sub3A_30 : vector<4096x128xf32>
    %reduce_sum3A_31 = arith.constant dense<0.000000e+00> : vector<4096xf32>
    %reduce_sum3A_32 = vector.multi_reduction <add>, %integer_pow3A, %reduce_sum3A_31 [1] : vector<4096x128xf32> to vector<4096xf32>
    %broadcast_in_dim3A_33 = vector.shape_cast %reduce_sum3A_32 : vector<4096xf32> to vector<4096x1xf32>
    %div3A_34 = arith.constant 1.638400e+04 : f32
    %div3A_35 = arith.divf %reduce_sum3A_13, %div3A_34 : f32
    %sub3A_36 = vector.broadcast %div3A_35 : f32 to vector<4096x1xf32>
    %sub3A_37 = arith.subf %concatenate3A, %sub3A_36 : vector<4096x1xf32>
    %mul3A = arith.constant 1.280000e+02 : f32
    %mul3A_38 = vector.broadcast %mul3A : f32 to vector<4096x1xf32>
    %mul3A_39 = arith.mulf %mul3A_38, %div3A_29 : vector<4096x1xf32>
    %sub3A_40 = arith.subf %broadcast_in_dim3A, %mul3A_39 : vector<4096x1xf32>
    %mul3A_41 = arith.mulf %sub3A_37, %sub3A_40 : vector<4096x1xf32>
    %div3A_42 = arith.divf %mul3A_41, %broadcast_in_dim3A_33 : vector<4096x1xf32>
    %mul3A_43 = arith.mulf %div3A_42, %broadcast_in_dim3A : vector<4096x1xf32>
    %mul3A_44 = arith.mulf %div3A_42, %div3A_29 : vector<4096x1xf32>
    %sub3A_45 = vector.broadcast %div3A_35 : f32 to vector<4096x1xf32>
    %sub3A_46 = arith.subf %sub3A_45, %mul3A_44 : vector<4096x1xf32>
    %add3A = arith.addf %mul3A_43, %sub3A_46 : vector<4096x1xf32>
    %broadcast_in_dim3A_47 = vector.shape_cast %add3A : vector<4096x1xf32> to vector<4096x1xf32>
    %broadcast_in_dim3A_48 = vector.broadcast %broadcast_in_dim3A_47 : vector<4096x1xf32> to vector<4096x512xf32>
    %swap3A = arith.constant 0 : index
    %swap3A_49 = arith.constant 0 : index
    %swap3A_50 = vector.load %arg4[%swap3A, %swap3A_49] : memref<4096x512xf32, #tpu.memory_space<vmem>>, vector<4096x512xf32>
    tpu.vector_store %arg4[%swap3A, %swap3A_49], %broadcast_in_dim3A_48 {strides = array<i32>} : memref<4096x512xf32, #tpu.memory_space<vmem>>, vector<4096x512xf32>,
    return
  }
  func.func @transform_0(%arg0: i32) -> (i32, i32) {
    %c0_i32 = arith.constant 0 : i32
    %c0_i32_0 = arith.constant 0 : i32
    return %arg0, %c0_i32 : i32, i32
  }
  func.func @transform_1(%arg0: i32) -> (i32, i32, i32) {
    %c0_i32 = arith.constant 0 : i32
    %c0_i32_0 = arith.constant 0 : i32
    %c0_i32_1 = arith.constant 0 : i32
    return %arg0, %c0_i32, %c0_i32_0 : i32, i32, i32
  }
  func.func @transform_2(%arg0: i32) -> (i32, i32) {
    %c0_i32 = arith.constant 0 : i32
    %c0_i32_0 = arith.constant 0 : i32
    %c0_i32_1 = arith.constant 0 : i32
    return %c0_i32, %c0_i32_0 : i32, i32
  }
  func.func @transform_3(%arg0: i32) -> (i32, i32) {
    %c0_i32 = arith.constant 0 : i32
    %c0_i32_0 = arith.constant 0 : i32
    return %arg0, %c0_i32 : i32, i32
  }
}

</mosaic_0001>

<sc_bundles>
// kernel: kernel.4.cloned.1.call-start
scs
__scs_entry_jumppad:
0x0: {  	(pc) =	sbr.rel $0x88, $3  }
0x1: {  	(tag) =	ssettag $0x0;
	lr =	simm.s32 $0x1  }
0x2: {  	[smem:$0x3F9E] =	sst lr;
	_ =	strace $0xD0000000  }
0x3: {  	_ = 	snop  }
0x4: {  	_ = 	snop  }
0x5: {  	_ = 	snop  }
0x6: {  	_ = 	snop  }
0x7: {  	_ = 	snop  }
__scs_overlays_trampoline_lowered:
0x8: {  	[smem:$0x3FAD] =	sst s0  }
0x9: {  	[smem:$0x3FAE] =	sst s1  }
0xa: {  	[smem:$0x3FAF] =	sst s2  }
0xb: {  	[smem:$0x3FB0] =	sst s3  }
0xc: {  	[smem:$0x3FB1] =	sst s4  }
0xd: {  	[smem:$0x3FB2] =	sst s5  }
0xe: {  	[smem:$0x3FB3] =	sst s6  }
0xf: {  	[smem:$0x3FB4] =	sst s7  }
0x10: {  	[smem:$0x3FB5] =	sst s8  }
0x11: {  	[smem:$0x3FB6] =	sst s9;
	s0 =	simm.s32 @!p0 $0x0  }
0x12: {  	s1 =	sld [smem:$0x3F9C];
	s0 =	simm.s32 @p0 $0x1  }
0x13: {  	[smem:$0x3FB7] =	sst s0;
	s0 =	simm.s32 @!p1 $0x0  }
0x14: {  	s2 =	sld [smem:$0x3F9B];
	s0 =	simm.s32 @p1 $0x1  }
0x15: {  	[smem:$0x3FB8] =	sst s0;
	s0 =	simm.s32 @!p2 $0x0  }
0x16: {  	s3 =	sld [smem:$0x3FDB];
	s0 =	simm.s32 @p2 $0x1  }
0x17: {  	s4 =	simm.s32 $0x1BF5;
	[smem:$0x3FBA] =	sst s0  }
0x18: {  	s0 =	sld [smem:$0x3F9D];
	_ =	swait.ge [sflag:s4], $0x0  }
0x19: {  	s7 =	sld [smem:$0x3F9E]  }
0x1a: {  	s8 =	sadd.s32 $0xFFFFE003, lr  }
0x1b: {  	s9 =	sadd.s32 $0xFFFFFEF7, lr;
	s5 =	simm.s32 $0xFFFFFFFF;
	p2 =	slt.u32 s8, $0xFFFFF086  }
0x1c: {  	p1 =	slt.u32 s9, $0xF7A;
	s5 =	simm.s32 @!p2 $0x0  }
0x1d: {  	s5 =	simm.s32 @p1 $0x1;
	p0 =	seq.s32 s7, s2  }
0x1e: {  	s7 =	smul.u32 @!p0 $0xF7A, s2;
	p2 =	seq.s32 @!p0 s5, $0x0  }
0x1f: {  	s9 =	smul.u32 $0xF7A, s1;
	s8 =	simm.s32 @!p0 $0x1BF5;
	p2 =	por !p2, p0  }
0x20: {  	[sflag:s8] =	ssyncset.s32 @!p0 $0xFFFFF086;
	s6 =	sadd.s32 @!p0 s3, s7;
	s7 =	simm.s32 @!p0 $0x108  }
0x21: {  	s3 =	sadd.s32 s3, s9;
	s6 =	sadd.s32 @!p0 $0x88, s6;
	s7 =	simm.s32 @p2 $0x1082  }
0x22: {  	[simem:s7], [sflag:s8] =	dma.local @!p0 [hbm:s6], $0xF7A  }
0x23: {  	s9 =	sor.u32 $0xD0000000, s2;
	s6 =	simm.s32 $0x108;
	_ =	swait.ge @!p0 [sflag:s8], $0x0  }
0x24: {  	s3 =	sadd.s32 $0x88, s3;
	s6 =	simm.s32 @!p1 $0x1082;
	[sflag:s4] =	ssyncset.s32 $0xFFFFF086  }
0x25: {  	[simem:s6], [sflag:s4] =	dma.local [hbm:s3], $0xF7A  }
0x26: {  	[smem:$0x3F9E] =	sst s1;
	(tag) =	ssettag s2;
	_ =	strace s9  }
0x27: {  	s1 =	sld [smem:$0x3FAE]  }
0x28: {  	s2 =	sld [smem:$0x3FAF]  }
0x29: {  	s4 =	sld [smem:$0x3FB1]  }
0x2a: {  	p0 =	seq.s32 s5, $0x0;
	s5 =	sld [smem:$0x3FB2]  }
0x2b: {  	s6 =	sld [smem:$0x3FB3]  }
0x2c: {  	s7 =	sld [smem:$0x3FB4]  }
0x2d: {  	s3 =	simm.s32 $0x108;
	s8 =	sld [smem:$0x3FB5]  }
0x2e: {  	s3 =	simm.s32 @!p0 $0x1082;
	s9 =	sld [smem:$0x3FB6]  }
0x2f: {  	lr =	sadd.s32 s0, s3;
	s0 =	sld [smem:$0x3FAD]  }
0x30: {  	s3 =	sld [smem:$0x3FB0]  }
0x31: {  	[smem:$0x3FB9] =	sst s10  }
0x32: {  	s10 =	sld [smem:$0x3FB7];
	_ =	sdelay $0x3  }
0x33: {  	p0 =	seq.s32 s10, $0x1;
	s10 =	sld [smem:$0x3FB9];
	_ =	sdelay $0x3  }
0x34: {  	[smem:$0x3FB9] =	sst s10  }
0x35: {  	s10 =	sld [smem:$0x3FB8];
	_ =	sdelay $0x3  }
0x36: {  	p1 =	seq.s32 s10, $0x1;
	s10 =	sld [smem:$0x3FB9];
	_ =	sdelay $0x3  }
0x37: {  	[smem:$0x3FB9] =	sst s10  }
0x38: {  	s10 =	sld [smem:$0x3FBA]  }
0x39: {  	_ = 	snop;
	(pc) =	sbr.ind lr, $3  }
0x3a: {  	_ = 	snop  }
0x3b: {  	_ = 	snop  }
0x3c: {  	p2 =	seq.s32 s10, $0x1;
	s10 =	sld [smem:$0x3FB9]  }
0x3d: {  	_ =	shalt  }
0x3e: {  	_ =	shalt  }
0x3f: {  	_ =	shalt  }
0x40: {  	_ =	shalt  }
0x41: {  	_ =	shalt  }
0x42: {  	_ =	shalt  }
0x43: {  	_ =	shalt  }
0x44: {  	_ =	shalt  }
0x45: {  	_ =	shalt  }
0x46: {  	_ =	shalt  }
0x47: {  	_ =	shalt  }
0x48: {  	_ =	shalt  }
0x49: {  	_ =	shalt  }
0x4a: {  	_ =	shalt  }
0x4b: {  	_ =	shalt  }
0x4c: {  	_ =	shalt  }
0x4d: {  	_ =	shalt  }
0x4e: {  	_ =	shalt  }
0x4f: {  	_ =	shalt  }
0x50: {  	_ =	shalt  }
0x51: {  	_ =	shalt  }
0x52: {  	_ =	shalt  }
0x53: {  	_ =	shalt  }
0x54: {  	_ =	shalt  }
0x55: {  	_ =	shalt  }
0x56: {  	_ =	shalt  }
0x57: {  	_ =	shalt  }
0x58: {  	_ =	shalt  }
0x59: {  	_ =	shalt  }
0x5a: {  	_ =	shalt  }
0x5b: {  	_ =	shalt  }
0x5c: {  	_ =	shalt  }
0x5d: {  	_ =	shalt  }
0x5e: {  	_ =	shalt  }
0x5f: {  	_ =	shalt  }
0x60: {  	_ =	shalt  }
0x61: {  	_ =	shalt  }
0x62: {  	_ =	shalt  }
0x63: {  	_ =	shalt  }
0x64: {  	_ =	shalt  }
0x65: {  	_ =	shalt  }
0x66: {  	_ =	shalt  }
0x67: {  	_ =	shalt  }
0x68: {  	_ =	shalt  }
0x69: {  	_ =	shalt  }
0x6a: {  	_ =	shalt  }
0x6b: {  	_ =	shalt  }
0x6c: {  	_ =	shalt  }
0x6d: {  	_ =	shalt  }
0x6e: {  	_ =	shalt  }
0x6f: {  	_ =	shalt  }
0x70: {  	_ =	shalt  }
0x71: {  	_ =	shalt  }
0x72: {  	_ =	shalt  }
0x73: {  	_ =	shalt  }
0x74: {  	_ =	shalt  }
0x75: {  	_ =	shalt  }
0x76: {  	_ =	shalt  }
0x77: {  	_ =	shalt  }
0x78: {  	_ =	shalt  }
0x79: {  	_ =	shalt  }
0x7a: {  	_ =	shalt  }
0x7b: {  	_ =	shalt  }
0x7c: {  	_ =	shalt  }
0x7d: {  	_ =	shalt  }
0x7e: {  	_ =	shalt  }
0x7f: {  	_ =	shalt  }
0x80: {  	_ =	shalt  }
0x81: {  	_ =	shalt  }
0x82: {  	_ =	shalt  }
0x83: {  	_ =	shalt  }
0x84: {  	_ =	shalt  }
0x85: {  	_ =	shalt  }
0x86: {  	_ =	shalt  }
0x87: {  	_ =	shalt  }
.Lfunc_end0:
.L_simem_size_0:
called_computation_lowered:
.L_overlay_start_0:
0x88: {  	s2 =	sld [smem:$0x3FD9]  }
0x89: {  	s3 =	sld [smem:$0x3FFE];
	_ =	sdelay $0x1  }
0x8a: {  	s1 =	srdreg.scid  }
0x8b: {  	s0 =	sand.u32 $0x1, s1  }
0x8c: {  	s18 =	sshll.u32 s0, $0xA;
	s2 =	sadd.s32 s3, s2  }
0x8d: {  	s2 =	sadd.s32 s2, s18  }
0x8e: {  	[smem:$0x3FC5] =	sst s2  }
0x8f: {  	_ = 	snop  }
0x90: {  	s2 =	sld [smem:$0x3FC8]  }
0x91: {  	s19 =	sld [smem:$0x3FC7]  }
0x92: {  	s4 =	sld [smem:$0x3FD0];
	(tm) =	ssettm $0x1  }
0x93: {  	s5 =	sld [smem:$0x3FFB];
	_ =	sdelay $0x3  }
0x94: {  	_ =	strace s5  }
0x95: {  	s5 =	sld [smem:$0x3FFC];
	_ =	sdelay $0x3  }
0x96: {  	_ =	strace s5  }
0x97: {  	s5 =	sld [smem:$0x3FFD];
	_ =	sdelay $0x3  }
0x98: {  	_ =	strace s5  }
0x99: {  	_ =	strace $0x8FFFFFFF  }
0x9a: {  	s20 =	sld [smem:$0x3FDB];
	_ =	sdelay $0x1  }
0x9b: {  	s6 =	simm.s32 $_scs_section_size  }
0x9c: {  	s7 =	simm.s32 $_size__tile_overlayer_lowered;
	s8 =	simm.s32 $_tile_overlayer_lowered  }
0x9d: {  	s23 =	simm.s32 $0x1BFF;
	s22 =	sshll.u32 s8, $0x1;
	s5 =	sadd.s32 s6, s20  }
0x9e: {  	s9 =	simm.s32 $0x0;
	s21 =	sshll.u32 s7, $0x1;
	s7 =	sadd.s32 s22, s5  }
0x9f: {  	[timem:s9], [sflag:s23] =	dma.local [hbm:s7], s21  }
0xa0: {  	_ =	swait.ge [sflag:s23], s21  }
0xa1: {  	s6 =	ssub.s32 $0x0, s21;
	[sflag:s23] =	ssyncset.done $0x0  }
0xa2: {  	[sflag:s23] =	ssyncadd.s32 s6;
	_ =	sdelay $0x1  }
0xa3: {  	s24 =	simm.s32 $0x1B8B  }
0xa4: {  	_ =	swait.ge [sflag:s24], $0x1  }
0xa5: {  	[sflag:s24] =	ssyncset.done $0x0  }
0xa6: {  	s25 =	simm.s32 $0x1B8E;
	[sflag:s24] =	ssyncadd.s32 $0xFFFFFFFF  }
0xa7: {  	s26 =	simm.s32 $execute0_lowered;
	[smem:$0x3FD2] =	sst s25  }
0xa8: {  	s6 =	sshll.u32 s26, $0x1;
	_ =	strace $0x80000046;
	[dreg:$0x1] =	wrdreg $0xFFFFFFFF  }
0xa9: {  	s28 =	simm.s32 $_size_execute0_lowered;
	s5 =	sadd.s32 s5, s6;
	[dreg:$0x0] =	wrdreg $0x0  }
0xaa: {  	s6 =	sshll.u32 s28, $0x1;
	[dreg:$0x2] =	wrdreg s5  }
0xab: {  	[dreg:$0x3] =	wrdreg s6  }
0xac: {  	[dreg:$0x4] =	wrdreg $0xC0  }
0xad: {  	_ =	task [dreg:s9], $0x5FFFF  }
0xae: {  	[dreg:$0x1] =	wrdreg $0xFFFFFFFF  }
0xaf: {  	[dreg:$0x0] =	wrdreg $0x60  }
0xb0: {  	[dreg:$0x2] =	wrdreg s19  }
0xb1: {  	[dreg:$0x3] =	wrdreg s2  }
0xb2: {  	[dreg:$0x4] =	wrdreg s4  }
0xb3: {  	[dreg:$0x5] =	wrdreg $0x9  }
0xb4: {  	_ =	task.clear_ibuf [dreg:s9], $0x6FFFF;
	_ =	strace $0x90000046  }
0xb5: {  	s29 =	simm.s32 $0x9;
	_ =	strace $0x80000048  }
0xb6: {  	_ =	swait.ge [sflag:s29], $0x1  }
0xb7: {  	[sflag:s29] =	ssyncadd.s32 $0xFFFFFFFF  }
0xb8: {  	_ =	strace $0x90000048  }
0xb9: {  	_ =	sfence  }
0xba: {  	s30 =	sld [smem:$0x0];
	_ =	sdelay $0x2  }
0xbb: {  	s31 =	sshll.u32 s1, $0xD;
	s1 =	sshrl.u32 s1, $0x2  }
0xbc: {  	s3 =	sand.u32 $0x4000, s31;
	s1 =	sadd.s32 s1, s30  }
0xbd: {  	s0 =	sor.u32 s3, s0;
	s1 =	sshll.u32 s1, $0x11  }
0xbe: {  	s0 =	sor.u32 s1, s0  }
0xbf: {  	s0 =	sadd.s32 $0x8F2B, s0  }
0xc0: {  	[sflag:s0] =	ssyncadd.remote.s32 $0x1  }
0xc1: {  	_ =	sfence.sel $0xFFFF  }
0xc2: {  	[dreg:$0x0] =	wrdreg $0xFFFFFFFF;
	(pc) =	sbr.abs _section_cstart, $3  }
0xc3: {  	[dreg:$0x1] =	wrdreg $0xFFFFFFFF  }
0xc4: {  	_ =	task.clear_ibuf [dreg:s9], $0x2FFFF;
	_ =	strace $0x9FFFFFFF  }
0xc5: {  	(tm) =	ssettm $0x7FFFFFFF  }
tec
execute0_lowered:
.L_overlay_start_1:
0x0: {  	(tag) =	ssettag $0x1  }
0x1: {  	s6 =	srdreg.scid  }
0x2: {  	s6 =	sand.u32 $0x1, s6  }
0x3: {  	s7 =	ssub.s32 $0x2, s6  }
0x4: {  	s2 =	rddreg [dreg:$0x0];
	s9 =	sshrl.u32 s7, $0x1  }
0x5: {  	s4 =	rddreg [dreg:$0x1];
	s7 =	ssub.s32 s7, s9  }
0x6: {  	s5 =	rddreg [dreg:$0x2];
	s10 =	smax.u32 s7, $0x1  }
0x7: {  	s0 =	rddreg [dreg:$0x3];
	s3 =	simm.s32 $0x0;
	p1 =	sne.s32 s10, $0x1  }
.Ltmp0:
0x8: {  	s1 =	stileid.u32;
	p0 =	por $0x0, $0x0;
	(pc) =	sbr.rel @!p1 .LBB2_3-.Ltmp0, $4  }
0x9: {  	s8 =	sshll.u32 s1, $0x7;
	[smem:$0x7FF] =	sst s3;
	s6 =	sshll.u32 s6, $0x6  }
0xa: {  	_ =	strace $0x80000047;
	s6 =	sor.u32 s6, s8;
	s8 =	simm.s32 $0x1  }
0xb: {  	s9 =	sadd.s32 s4, s6;
	s5 =	sadd.s32 s5, s6;
	s4 =	simm.s32 $0x2  }
0xc: {  	s6 =	simm.s32 $0x400;
	s7 =	simm.s32 $0x200;
	s10 =	sadd.s32 $0xFFFFFFFF, s10  }
0xd: {  	[tilespmem:s3], [sflag:$0x2] =	stream.linear.gather [hbm4b:s9+s3], $0x200, $0x38;
	[tilespmem:$0x600] =	vst v63  }
0xe: {  	_ =	swait.ge [sflag:s4], $0x200  }
0xf: {  	[sflag:s4] =	ssyncset.done $0x0  }
0x10: {  	[sflag:s4] =	ssyncadd.s32 $0xFFFFFE00  }
0x11: {  	v0 =	vld [tilespmem:$0x50]  }
0x12: {  	v1 =	vld [tilespmem:$0x40]  }
0x13: {  	v2 =	vld [tilespmem:$0x1A0]  }
0x14: {  	v3 =	vld [tilespmem:$0x60]  }
0x15: {  	v4 =	vld [tilespmem:$0xF0]  }
0x16: {  	v6 =	vld [tilespmem:$0x0]  }
0x17: {  	v7 =	vld [tilespmem:$0x70];
	v1 =	vshll.u32 v1, $0x9  }
0x18: {  	v5 =	vld [tilespmem:$0x160];
	v0 =	vshll.u32 v0, $0x9;
	[tilespmem:$0x240] =	vst v1  }
0x19: {  	v1 =	vshll.u32 v2, $0x9;
	[tilespmem:$0x250] =	vst v0;
	v0 =	vld [tilespmem:$0xA0]  }
0x1a: {  	v3 =	vshll.u32 v3, $0x9;
	[tilespmem:$0x3A0] =	vst v1;
	v1 =	vld [tilespmem:$0x90]  }
0x1b: {  	v4 =	vshll.u32 v4, $0x9;
	[tilespmem:$0x260] =	vst v3;
	v3 =	vshll.u32 v6, $0x9;
	v6 =	vld [tilespmem:$0x10]  }
0x1c: {  	v8 =	vld [tilespmem:$0xD0];
	v7 =	vshll.u32 v7, $0x9;
	[tilespmem:$0x2F0] =	vst v4  }
0x1d: {  	v2 =	vld [tilespmem:$0x80];
	[tilespmem:$0x270] =	vst v7  }
0x1e: {  	v5 =	vshll.u32 v5, $0x9;
	[tilespmem:$0x200] =	vst v3;
	v3 =	vld [tilespmem:$0xE0]  }
0x1f: {  	v4 =	vld [tilespmem:$0xB0];
	[tilespmem:$0x360] =	vst v5;
	v1 =	vshll.u32 v1, $0x9  }
0x20: {  	v0 =	vshll.u32 v0, $0x9;
	[tilespmem:$0x290] =	vst v1;
	v1 =	vshll.u32 v6, $0x9;
	v6 =	vld [tilespmem:$0x20]  }
0x21: {  	v63 =	vld [tilespmem:$0x1B0];
	[tilespmem:$0x2A0] =	vst v0  }
0x22: {  	v2 =	vshll.u32 v2, $0x9;
	[tilespmem:$0x210] =	vst v1;
	v1 =	vld [tilespmem:$0xC0]  }
0x23: {  	v3 =	vshll.u32 v3, $0x9;
	[tilespmem:$0x280] =	vst v2;
	v2 =	vld [tilespmem:$0x120]  }
0x24: {  	v4 =	vshll.u32 v4, $0x9;
	[tilespmem:$0x2E0] =	vst v3;
	v3 =	vld [tilespmem:$0x130]  }
0x25: {  	[tilespmem:$0x2B0] =	vst v4;
	v4 =	vld [tilespmem:$0x140];
	v5 =	vshll.u32 v6, $0x9  }
0x26: {  	v6 =	vshll.u32 v8, $0x9;
	[tilespmem:$0x220] =	vst v5;
	v5 =	vld [tilespmem:$0x30]  }
0x27: {  	v1 =	vshll.u32 v1, $0x9;
	[tilespmem:$0x2D0] =	vst v6;
	v6 =	vld [tilespmem:$0x150]  }
0x28: {  	[tilespmem:$0x2C0] =	vst v1;
	v1 =	vshll.u32 v2, $0x9;
	v2 =	vld [tilespmem:$0x170]  }
0x29: {  	[tilespmem:$0x320] =	vst v1;
	v1 =	vshll.u32 v3, $0x9;
	v3 =	vld [tilespmem:$0x180]  }
0x2a: {  	v0 =	vld [tilespmem:$0x110];
	[tilespmem:$0x330] =	vst v1;
	v1 =	vshll.u32 v4, $0x9  }
0x2b: {  	v4 =	vld [tilespmem:$0x190];
	[tilespmem:$0x340] =	vst v1;
	v5 =	vshll.u32 v5, $0x9  }
0x2c: {  	v7 =	vld [tilespmem:$0x100];
	v1 =	vshll.u32 v6, $0x9;
	[tilespmem:$0x230] =	vst v5  }
0x2d: {  	p1 =	sne.s32 s10, $0x1;
	v5 =	vld [tilespmem:$0x1C0];
	[tilespmem:$0x350] =	vst v1;
	v1 =	vshll.u32 v2, $0x9  }
.Ltmp1:
0x2e: {  	[tilespmem:$0x370] =	vst v1;
	v2 =	vshll.u32 v3, $0x9;
	v1 =	vld [tilespmem:$0x1D0];
	(pc) =	sbr.rel @!p1 .LBB2_3-.Ltmp1, $4  }
0x2f: {  	[tilespmem:$0x380] =	vst v2;
	v2 =	vld [tilespmem:$0x1E0]  }
0x30: {  	v6 =	vshll.u32 v0, $0x9;
	v3 =	vshll.u32 v4, $0x9;
	v4 =	vld [tilespmem:$0x1F0]  }
0x31: {  	[tilespmem:$0x310] =	vst v6  }
0x32: {  	s10 =	sadd.s32 $0xFFFFFFFF, s10;
	p0 =	por $0x1, $0x1;
	v0 =	vshll.u32 v7, $0x9;
	[tilespmem:$0x390] =	vst v3;
	v3 =	vshll.u32 v63, $0x9;
	v5 =	vshll.u32 v5, $0x9  }
.LBB2_2:
0x33: {  	p1 =	sne.s32 s10, $0x1;
	s10 =	sadd.s32 $0xFFFFFFFF, s10;
	[tilespmem:$0x3C0] =	vst v5  }
0x34: {  	[tilespmem:$0x300] =	vst v0;
	v0 =	vshll.u32 v2, $0x9  }
0x35: {  	v1 =	vshll.u32 v1, $0x9;
	[tilespmem:$0x3E0] =	vst v0;
	v0 =	vshll.u32 v4, $0x9  }
0x36: {  	[tilespmem:$0x3F0] =	vst v0  }
0x37: {  	[tilespmem:$0x3B0] =	vst v3  }
0x38: {  	[tilespmem:$0x3D0] =	vst v1  }
0x39: {  	[tilespmem:s6], [sflag:$0x1] =	stream.indirect.gather [hbm4b:s2+s7], $0x1, s7, s7, $0xb8;
	[tilespmem:$0x600] =	vst v63  }
0x3a: {  	_ =	swait.ge [sflag:s8], $0x200  }
0x3b: {  	[sflag:s8] =	ssyncset.done $0x0  }
0x3c: {  	[sflag:s8] =	ssyncadd.s32 $0xFFFFFE00  }
0x3d: {  	[hbm4b:s5+s3] =	stream.linear.scatter [tilespmem:s6], [sflag:$0x2], $0x200, $0x38;
	[tilespmem:$0x600] =	vst v63  }
0x3e: {  	_ =	swait.ge [sflag:s4], $0x200  }
0x3f: {  	[sflag:s4] =	ssyncset.done $0x0  }
0x40: {  	[sflag:s4] =	ssyncadd.s32 $0xFFFFFE00  }
0x41: {  	[tilespmem:s3], [sflag:$0x2] =	stream.linear.gather [hbm4b:s9+s3], $0x200, $0x38;
	[tilespmem:$0x600] =	vst v63  }
0x42: {  	_ =	swait.ge [sflag:s4], $0x200  }
0x43: {  	[sflag:s4] =	ssyncset.done $0x0  }
0x44: {  	[sflag:s4] =	ssyncadd.s32 $0xFFFFFE00  }
0x45: {  	v0 =	vld [tilespmem:$0x50]  }
0x46: {  	v1 =	vld [tilespmem:$0x40]  }
0x47: {  	v2 =	vld [tilespmem:$0x1A0]  }
0x48: {  	v3 =	vld [tilespmem:$0x60]  }
0x49: {  	v4 =	vld [tilespmem:$0xF0]  }
0x4a: {  	v5 =	vld [tilespmem:$0x160]  }
0x4b: {  	v6 =	vld [tilespmem:$0x0];
	v1 =	vshll.u32 v1, $0x9  }
0x4c: {  	v0 =	vshll.u32 v0, $0x9;
	[tilespmem:$0x240] =	vst v1;
	v1 =	vld [tilespmem:$0x70];
	v2 =	vshll.u32 v2, $0x9  }
0x4d: {  	v3 =	vshll.u32 v3, $0x9;
	v7 =	vld [tilespmem:$0x80];
	[tilespmem:$0x3A0] =	vst v2  }
0x4e: {  	[tilespmem:$0x250] =	vst v0;
	v0 =	vld [tilespmem:$0x90];
	v2 =	vshll.u32 v4, $0x9  }
0x4f: {  	[tilespmem:$0x260] =	vst v3;
	v3 =	vld [tilespmem:$0xA0];
	v4 =	vshll.u32 v5, $0x9  }
0x50: {  	v5 =	vshll.u32 v6, $0x9;
	v6 =	vld [tilespmem:$0x10]  }
0x51: {  	[tilespmem:$0x200] =	vst v5;
	v1 =	vshll.u32 v1, $0x9;
	v5 =	vld [tilespmem:$0xE0]  }
0x52: {  	v7 =	vshll.u32 v7, $0x9;
	v8 =	vld [tilespmem:$0xD0];
	[tilespmem:$0x2F0] =	vst v2  }
0x53: {  	[tilespmem:$0x270] =	vst v1;
	v0 =	vshll.u32 v0, $0x9;
	v1 =	vld [tilespmem:$0xB0]  }
0x54: {  	[tilespmem:$0x290] =	vst v0;
	v0 =	vshll.u32 v3, $0x9;
	v2 =	vld [tilespmem:$0x100]  }
0x55: {  	v3 =	vshll.u32 v6, $0x9;
	v6 =	vld [tilespmem:$0x20];
	[tilespmem:$0x360] =	vst v4  }
0x56: {  	[tilespmem:$0x210] =	vst v3;
	v3 =	vld [tilespmem:$0xC0];
	v4 =	vshll.u32 v5, $0x9  }
0x57: {  	[tilespmem:$0x2A0] =	vst v0;
	v5 =	vshll.u32 v8, $0x9;
	v8 =	vld [tilespmem:$0x110]  }
0x58: {  	[tilespmem:$0x280] =	vst v7;
	v1 =	vshll.u32 v1, $0x9;
	v7 =	vld [tilespmem:$0x120]  }
0x59: {  	[tilespmem:$0x2E0] =	vst v4;
	v0 =	vshll.u32 v2, $0x9;
	v2 =	vld [tilespmem:$0x130]  }
0x5a: {  	v4 =	vshll.u32 v6, $0x9;
	[tilespmem:$0x2B0] =	vst v1;
	v1 =	vld [tilespmem:$0x140]  }
0x5b: {  	[tilespmem:$0x220] =	vst v4;
	v4 =	vld [tilespmem:$0x30];
	v3 =	vshll.u32 v3, $0x9  }
0x5c: {  	[tilespmem:$0x2D0] =	vst v5;
	v5 =	vshll.u32 v8, $0x9;
	v6 =	vld [tilespmem:$0x150]  }
0x5d: {  	[tilespmem:$0x2C0] =	vst v3;
	v3 =	vshll.u32 v7, $0x9;
	v7 =	vld [tilespmem:$0x170]  }
0x5e: {  	[tilespmem:$0x320] =	vst v3;
	v2 =	vshll.u32 v2, $0x9;
	v3 =	vld [tilespmem:$0x180]  }
0x5f: {  	[tilespmem:$0x330] =	vst v2;
	v1 =	vshll.u32 v1, $0x9;
	v8 =	vld [tilespmem:$0x190]  }
0x60: {  	v2 =	vshll.u32 v4, $0x9;
	[tilespmem:$0x340] =	vst v1;
	v9 =	vld [tilespmem:$0x1B0]  }
0x61: {  	[tilespmem:$0x230] =	vst v2;
	v1 =	vshll.u32 v6, $0x9;
	v6 =	vld [tilespmem:$0x1C0]  }
.Ltmp2:
0x62: {  	[tilespmem:$0x350] =	vst v1;
	v2 =	vshll.u32 v7, $0x9;
	v1 =	vld [tilespmem:$0x1D0];
	(pc) =	sbr.rel @p1 .LBB2_2-.Ltmp2, $4  }
0x63: {  	[tilespmem:$0x370] =	vst v2;
	v3 =	vshll.u32 v3, $0x9;
	v2 =	vld [tilespmem:$0x1E0]  }
0x64: {  	[tilespmem:$0x380] =	vst v3;
	v3 =	vshll.u32 v8, $0x9;
	v4 =	vld [tilespmem:$0x1F0]  }
0x65: {  	[tilespmem:$0x390] =	vst v3;
	v3 =	vshll.u32 v9, $0x9  }
0x66: {  	[tilespmem:$0x310] =	vst v5;
	v5 =	vshll.u32 v6, $0x9  }
.LBB2_3:
0x67: {  	[tilespmem:$0x3C0] =	vst @p0 v5  }
0x68: {  	[tilespmem:$0x300] =	vst @p0 v0  }
0x69: {  	[tilespmem:$0x3B0] =	vst @p0 v3;
	v0 =	vshll.u32 @p0 v2, $0x9  }
0x6a: {  	[tilespmem:$0x3E0] =	vst @p0 v0;
	v0 =	vshll.u32 @p0 v4, $0x9  }
0x6b: {  	[tilespmem:$0x3F0] =	vst @p0 v0;
	v0 =	vshll.u32 @p0 v1, $0x9  }
0x6c: {  	[tilespmem:$0x3D0] =	vst @p0 v0  }
0x6d: {  	[tilespmem:s6], [sflag:$0x1] =	stream.indirect.gather @p0 [hbm4b:s2+s7], $0x1, s7, s7, $0xb8;
	[tilespmem:$0x600] =	vst v63  }
0x6e: {  	_ =	swait.ge @p0 [sflag:s8], $0x200  }
0x6f: {  	[sflag:s8] =	ssyncset.done @p0 $0x0  }
0x70: {  	[sflag:s8] =	ssyncadd.s32 @p0 $0xFFFFFE00  }
0x71: {  	[hbm4b:s5+s3] =	stream.linear.scatter @p0 [tilespmem:s6], [sflag:$0x2], $0x200, $0x38;
	[tilespmem:$0x600] =	vst v63  }
0x72: {  	_ =	swait.ge @p0 [sflag:s4], $0x200  }
0x73: {  	[sflag:s4] =	ssyncset.done @p0 $0x0  }
0x74: {  	[sflag:s4] =	ssyncadd.s32 @p0 $0xFFFFFE00  }
0x75: {  	[tilespmem:s3], [sflag:$0x2] =	stream.linear.gather [hbm4b:s9+s3], $0x200, $0x38;
	[tilespmem:$0x600] =	vst v63  }
0x76: {  	_ =	swait.ge [sflag:s4], $0x200  }
0x77: {  	[sflag:s4] =	ssyncset.done $0x0  }
0x78: {  	[sflag:s4] =	ssyncadd.s32 $0xFFFFFE00  }
0x79: {  	v16 =	vld [tilespmem:$0x40]  }
0x7a: {  	v17 =	vld [tilespmem:$0x1A0]  }
0x7b: {  	v18 =	vld [tilespmem:$0x50]  }
0x7c: {  	v19 =	vld [tilespmem:$0x60]  }
0x7d: {  	v20 =	vld [tilespmem:$0x0]  }
0x7e: {  	v21 =	vld [tilespmem:$0xF0];
	v0 =	vshll.u32 v16, $0x9  }
0x7f: {  	v23 =	vld [tilespmem:$0x90];
	v1 =	vshll.u32 v17, $0x9;
	[tilespmem:$0x240] =	vst v0  }
0x80: {  	v6 =	vld [tilespmem:$0x160];
	v2 =	vshll.u32 v18, $0x9;
	[tilespmem:$0x3A0] =	vst v1  }
0x81: {  	v25 =	vld [tilespmem:$0x10];
	v3 =	vshll.u32 v19, $0x9;
	[tilespmem:$0x250] =	vst v2  }
0x82: {  	v27 =	vld [tilespmem:$0xA0];
	v24 =	vshll.u32 v20, $0x9;
	[tilespmem:$0x260] =	vst v3  }
0x83: {  	v28 =	vld [tilespmem:$0x80];
	v26 =	vshll.u32 v21, $0x9;
	[tilespmem:$0x200] =	vst v24  }
0x84: {  	v29 =	vld [tilespmem:$0xE0];
	v30 =	vshll.u32 v23, $0x9;
	[tilespmem:$0x2F0] =	vst v26  }
0x85: {  	v32 =	vld [tilespmem:$0xB0];
	v31 =	vshll.u32 v6, $0x9;
	[tilespmem:$0x290] =	vst v30  }
0x86: {  	v40 =	vld [tilespmem:$0x130];
	v33 =	vshll.u32 v25, $0x9;
	[tilespmem:$0x360] =	vst v31  }
0x87: {  	v41 =	vld [tilespmem:$0x140];
	v5 =	vshll.u32 v27, $0x9;
	[tilespmem:$0x210] =	vst v33  }
0x88: {  	v43 =	vld [tilespmem:$0x150];
	v36 =	vshll.u32 v28, $0x9;
	[tilespmem:$0x2A0] =	vst v5  }
0x89: {  	v44 =	vld [tilespmem:$0x170];
	v4 =	vshll.u32 v29, $0x9;
	[tilespmem:$0x280] =	vst v36  }
0x8a: {  	v46 =	vld [tilespmem:$0x180];
	v39 =	vshll.u32 v32, $0x9;
	[tilespmem:$0x2E0] =	vst v4  }
0x8b: {  	v48 =	vld [tilespmem:$0x190];
	v45 =	vshll.u32 v40, $0x9;
	[tilespmem:$0x2B0] =	vst v39  }
0x8c: {  	v49 =	vld [tilespmem:$0x110];
	v47 =	vshll.u32 v41, $0x9;
	[tilespmem:$0x330] =	vst v45  }
0x8d: {  	v55 =	vld [tilespmem:$0x1E0];
	v50 =	vshll.u32 v43, $0x9;
	[tilespmem:$0x340] =	vst v47  }
0x8e: {  	v57 =	vld [tilespmem:$0x1F0];
	v53 =	vshll.u32 v44, $0x9;
	[tilespmem:$0x350] =	vst v50  }
0x8f: {  	v59 =	vld [tilespmem:$0x1B0];
	v54 =	vshll.u32 v46, $0x9;
	[tilespmem:$0x370] =	vst v53  }
0x90: {  	v22 =	vld [tilespmem:$0x70];
	v56 =	vshll.u32 v48, $0x9;
	[tilespmem:$0x380] =	vst v54  }
0x91: {  	v34 =	vld [tilespmem:$0x20];
	v58 =	vshll.u32 v49, $0x9;
	[tilespmem:$0x390] =	vst v56  }
0x92: {  	v35 =	vld [tilespmem:$0xD0];
	v61 =	vshll.u32 v55, $0x9;
	[tilespmem:$0x310] =	vst v58  }
0x93: {  	v37 =	vld [tilespmem:$0xC0];
	v62 =	vshll.u32 v57, $0x9;
	[tilespmem:$0x3E0] =	vst v61  }
0x94: {  	v38 =	vld [tilespmem:$0x120];
	v63 =	vshll.u32 v59, $0x9;
	[tilespmem:$0x3F0] =	vst v62  }
0x95: {  	v42 =	vld [tilespmem:$0x30];
	v0 =	vshll.u32 v22, $0x9;
	[tilespmem:$0x3B0] =	vst v63  }
0x96: {  	v51 =	vld [tilespmem:$0x1C0];
	v3 =	vshll.u32 v34, $0x9;
	[tilespmem:$0x270] =	vst v0  }
0x97: {  	v52 =	vld [tilespmem:$0x100];
	v1 =	vshll.u32 v35, $0x9;
	[tilespmem:$0x220] =	vst v3  }
0x98: {  	v60 =	vld [tilespmem:$0x1D0];
	v2 =	vshll.u32 v37, $0x9;
	[tilespmem:$0x2D0] =	vst v1  }
0x99: {  	[tilespmem:$0x2C0] =	vst v2;
	v0 =	vshll.u32 v38, $0x9  }
0x9a: {  	v3 =	vshll.u32 v42, $0x9;
	[tilespmem:$0x320] =	vst v0  }
0x9b: {  	v1 =	vshll.u32 v51, $0x9;
	[tilespmem:$0x230] =	vst v3  }
0x9c: {  	v3 =	vshll.u32 v52, $0x9;
	[tilespmem:$0x3C0] =	vst v1  }
0x9d: {  	v0 =	vshll.u32 v60, $0x9;
	[tilespmem:$0x300] =	vst v3  }
0x9e: {  	[tilespmem:$0x3D0] =	vst v0  }
0x9f: {  	[tilespmem:s6], [sflag:$0x1] =	stream.indirect.gather [hbm4b:s2+s7], $0x1, s7, s7, $0xb8;
	[tilespmem:$0x600] =	vst v63  }
0xa0: {  	_ =	swait.ge [sflag:s8], $0x200  }
0xa1: {  	[sflag:s8] =	ssyncset.done $0x0  }
0xa2: {  	[sflag:s8] =	ssyncadd.s32 $0xFFFFFE00  }
0xa3: {  	[hbm4b:s5+s3] =	stream.linear.scatter [tilespmem:s6], [sflag:$0x2], $0x200, $0x38;
	[tilespmem:$0x600] =	vst v63  }
0xa4: {  	_ =	swait.ge [sflag:s4], $0x200  }
0xa5: {  	[sflag:s4] =	ssyncset.done $0x0  }
0xa6: {  	[sflag:s4] =	ssyncadd.s32 $0xFFFFFE00  }
0xa7: {  	_ =	sfence.sel $0x180000  }
0xa8: {  	[bflag:$0x0] =	sbarrier.arrive $0xFFFF  }
0xa9: {  	p0 =	sne.s32 s1, $0x0;
	_ =	strace $0x90000047  }
0xaa: {  	s0 =	sadd.s32 @!p0 $0x100000, s0;
	[bflag:$0x2] =	sbarrier.arrive $0xFFFF  }
0xab: {  	[sflag:s0] =	ssyncadd.tile.s32 @!p0 $0x1;
	_ =	shalt  }
.Lfunc_end2:
_tile_overlayer_lowered:
.L_overlay_start_2:
0xac: {  	(tag) =	ssettag $0x2  }
0xad: {  	s0 =	rddreg [dreg:$0x0];
	s2 =	stileid.u32  }
0xae: {  	s1 =	rddreg [dreg:$0x1];
	p0 =	sne.s32 s2, $0x0  }
0xaf: {  	s3 =	rddreg [dreg:$0x2];
	[bflag:$0x3] =	sbarrier.arrive $0xFFFF;
	s2 =	simm.s32 @!p0 $0x1C02  }
0xb0: {  	[timem:s3], [sflag:s2] =	dma.local @!p0 [hbm:s0], s1  }
0xb1: {  	s0 =	simm.s32 @!p0 $0x2  }
0xb2: {  	_ =	swait.ge @!p0 [sflag:s0], s1  }
0xb3: {  	s1 =	ssub.s32 @!p0 $0x0, s1;
	[sflag:s0] =	ssyncset.done @!p0 $0x0  }
0xb4: {  	[sflag:s0] =	ssyncadd.s32 @!p0 s1  }
0xb5: {  	[bflag:$0x3] =	sbarrier.arrive $0xFFFF  }
0xb6: {  	_ =	shalt  }

</sc_bundles>
